<compile_context>
chip_gen: v7x
topology: tpu7x:2x2x1
jax: 0.10.2.dev20260603
libtpu: 0.0.44.dev20260713+nightly
codegen_flags: <defaults>
</compile_context>

<pallas_src>
import jax
import jax.numpy as jnp
from jax import lax
from jax.experimental import pallas as pl
from jax.experimental.pallas import tpu as pltpu
from jax.experimental.pallas import tpu_sc as plsc

_EMBED = 64
_DVOC = 1000
_B, _L = 4096, 200
_N = _B * _L
_NC, _NS = 2, 16
_NW = _NC * _NS
_PER_W = _N // _NW
_G = 128
_STEPS = _PER_W // _G
_E2 = 2 * _EMBED
_NBUF = 4


def _body(tok_idx_hbm, diac_idx_hbm, tok_tab_hbm, diac_tab_hbm, out_hbm,
          idx_t_v, idx_d_v, rows_v, dia_sh, sem_t, sem_a, sem_w):
    c = lax.axis_index("c")
    s = lax.axis_index("s")
    wid = s * _NC + c
    base = wid * _PER_W

    @pl.when(s == 0)
    def _():
        pltpu.sync_copy(diac_tab_hbm, dia_sh)

    plsc.subcore_barrier()

    pltpu.sync_copy(tok_idx_hbm.at[pl.ds(base, _PER_W)], idx_t_v)
    pltpu.sync_copy(diac_idx_hbm.at[pl.ds(base, _PER_W)], idx_d_v)

    def tok_copy(j, b):
        return pltpu.make_async_copy(
            tok_tab_hbm.at[idx_t_v.at[pl.ds(j * _G, _G)]], rows_v.at[b],
            sem_t.at[b])

    def add_copy(j, b):
        return pltpu.make_async_copy(
            dia_sh.at[idx_d_v.at[pl.ds(j * _G, _G)]], rows_v.at[b],
            sem_a.at[b])

    def wr_copy(j, b):
        return pltpu.make_async_copy(
            rows_v.at[b], out_hbm.at[pl.ds(base + j * _G, _G)], sem_w.at[b])

    tok_copy(0, 0).start()
    tok_copy(1, 1).start()
    tok_copy(2, 2).start()
    tok_copy(0, 0).wait()
    add_copy(0, 0).start(add=True)
    tok_copy(3, 3).start()
    tok_copy(1, 1).wait()
    add_copy(1, 1).start(add=True)
    add_copy(0, 0).wait()
    wr_copy(0, 0).start()

    @pl.loop(4, _STEPS, step=_NBUF)
    def _(j0):
        for b in range(_NBUF):
            j = j0 + b
            wr_copy(j - _NBUF, b).wait()
            tok_copy(j, b).start()
            tok_copy(j - 2, (b - 2) % _NBUF).wait()
            add_copy(j - 2, (b - 2) % _NBUF).start(add=True)
            add_copy(j - 3, (b - 3) % _NBUF).wait()
            wr_copy(j - 3, (b - 3) % _NBUF).start()

    tok_copy(_STEPS - 2, 2).wait()
    add_copy(_STEPS - 2, 2).start(add=True)
    add_copy(_STEPS - 3, 1).wait()
    wr_copy(_STEPS - 3, 1).start()
    tok_copy(_STEPS - 1, 3).wait()
    add_copy(_STEPS - 1, 3).start(add=True)
    add_copy(_STEPS - 2, 2).wait()
    wr_copy(_STEPS - 2, 2).start()
    add_copy(_STEPS - 1, 3).wait()
    wr_copy(_STEPS - 1, 3).start()
    wr_copy(_STEPS - 4, 0).wait()
    wr_copy(_STEPS - 3, 1).wait()
    wr_copy(_STEPS - 2, 2).wait()
    wr_copy(_STEPS - 1, 3).wait()


def kernel(token_inputs, diac_inputs, token_table, diac_table):
    tok_idx = token_inputs.reshape(-1)
    diac_idx = diac_inputs.reshape(-1)
    tok_tab = jnp.concatenate(
        [token_table, jnp.zeros_like(token_table)], axis=1)
    diac_tab = jnp.pad(diac_table, ((0, 0), (_EMBED, 0)))
    mesh = plsc.VectorSubcoreMesh(core_axis_name="c", subcore_axis_name="s")
    k = pl.kernel(
        _body,
        mesh=mesh,
        out_type=jax.ShapeDtypeStruct((_N, _E2), jnp.float32),
        scratch_types=[
            pltpu.VMEM((_PER_W,), jnp.int32),
            pltpu.VMEM((_PER_W,), jnp.int32),
            pltpu.VMEM((_NBUF, _G, _E2), jnp.float32),
            pltpu.VMEM_SHARED((_DVOC, _E2), jnp.float32),
            pltpu.SemaphoreType.DMA((_NBUF,)),
            pltpu.SemaphoreType.DMA((_NBUF,)),
            pltpu.SemaphoreType.DMA((_NBUF,)),
        ],
    )
    out = k(tok_idx, diac_idx, tok_tab, diac_tab)
    return out.reshape(_B, _L, _E2)

# --- scband reference (transcript-rebuilt; emitter-appended) ---
"""Pipeline reference for scband-concatinate-embedding-87376814670617 (READ-ONLY COPY).

The authoritative reference and input builder live on the scoring server;
editing this copy changes nothing except your own understanding.
"""

import jax, jax.numpy as jnp
import numpy as np

TOKEN_VOCAB = 1000000
DIAC_VOCAB = 1000
EMBED = 64
B, L = 4096, 200

def setup_inputs(seed: int = 0) -> dict:
    key = jax.random.key(seed)
    k1, k2, k3, k4 = jax.random.split(key, 4)
    token_inputs = jax.random.randint(k1, (B, L), 0, TOKEN_VOCAB, dtype=jnp.int64 if jax.config.jax_enable_x64 else jnp.int32)
    diac_inputs = jax.random.randint(k2, (B, L), 0, DIAC_VOCAB, dtype=jnp.int64 if jax.config.jax_enable_x64 else jnp.int32)
    token_table = jax.random.normal(k3, (TOKEN_VOCAB, EMBED), dtype=jnp.float32)
    diac_table = jax.random.normal(k4, (DIAC_VOCAB, EMBED), dtype=jnp.float32)
    return {"token_inputs": token_inputs, "diac_inputs": diac_inputs, "token_table": token_table, "diac_table": diac_table}

def reference(token_inputs, diac_inputs, token_table, diac_table):
    token_embeddings = jnp.take(token_table, token_inputs, axis=0)
    diac_embeddings = jnp.take(diac_table, diac_inputs, axis=0)
    return jnp.concatenate((token_embeddings, diac_embeddings), axis=-1)

if __name__ == "__main__":
    import jax
    _d = setup_inputs()
    print(jax.jit(kernel)(*tuple(_d.values())))

</pallas_src>

<mosaic_0001>
#map = affine_map<(d0, d1) -> (0)>
#map1 = affine_map<(d0, d1) -> (0, 0)>
module attributes {stable_mosaic.version = 14 : i64} {
  func.func @_body(%arg0: i32, %arg1: i32, %arg2: memref<819200xi32, #tpu.memory_space<hbm>>, %arg3: memref<819200xi32, #tpu.memory_space<hbm>>, %arg4: memref<1000000x128xf32, #tpu.memory_space<hbm>>, %arg5: memref<1000x128xf32, #tpu.memory_space<hbm>>, %arg6: memref<819200x128xf32, #tpu.memory_space<hbm>>, %arg7: memref<25600xi32, #tpu.memory_space<vmem>>, %arg8: memref<25600xi32, #tpu.memory_space<vmem>>, %arg9: memref<4x128x128xf32, #tpu.memory_space<vmem>>, %arg10: memref<1000x128xf32, #tpu.memory_space<vmem_shared>>, %arg11: memref<4x!tpu.dma_semaphore, #tpu.memory_space<semaphore_mem>>, %arg12: memref<4x!tpu.dma_semaphore, #tpu.memory_space<semaphore_mem>>, %arg13: memref<4x!tpu.dma_semaphore, #tpu.memory_space<semaphore_mem>>) attributes {dimension_semantics = [#tpu.dimension_semantics<core_parallel>, #tpu.dimension_semantics<subcore_parallel>], iteration_bounds = array<i64: 2, 16>, scalar_prefetch = 0 : i64, scratch_operands = 7 : i64, tpu.core_type = #tpu.core_type<sc_vector_subcore>, window_params = [{transform_indices = #map}, {transform_indices = #map}, {transform_indices = #map1}, {transform_indices = #map1}, {transform_indices = #map1}]} {
    %mul3A = arith.constant 2 : i32
    %mul3A_0 = arith.muli %arg1, %mul3A : i32
    %add3A = arith.addi %mul3A_0, %arg0 : i32
    %mul3A_1 = arith.constant 25600 : i32
    %mul3A_2 = arith.muli %add3A, %mul3A_1 : i32
    %eq3A = arith.constant 0 : i32
    %eq3A_3 = arith.cmpi eq, %arg1, %eq3A : i32
    %convert_element_type3A = arith.extui %eq3A_3 : i1 to i32
    %cond3A = arith.constant 0 : i32
    %cond3A_4 = arith.cmpi ne, %convert_element_type3A, %cond3A : i32
    scf.if %cond3A_4 {
      "tpu.region"() ({
        %run_scoped3A = tpu.sem_alloc : memref<!tpu.dma_semaphore, #tpu.memory_space<semaphore_mem>>
        tpu.enqueue_dma source(%arg5 : memref<1000x128xf32, #tpu.memory_space<hbm>>) target(%arg10 : memref<1000x128xf32, #tpu.memory_space<vmem_shared>>) target_semaphore(%run_scoped3A : memref<!tpu.dma_semaphore, #tpu.memory_space<semaphore_mem>>)
        tpu.wait_dma2 semaphore(%run_scoped3A : memref<!tpu.dma_semaphore, #tpu.memory_space<semaphore_mem>>) src(%arg5 : memref<1000x128xf32, #tpu.memory_space<hbm>>) dst(%arg10 : memref<1000x128xf32, #tpu.memory_space<vmem_shared>>)
        tpu.yield
      }) : () -> ()
    } else {
    }
    %barrier3A = arith.constant 0 : index
    tpu.barrier barrier_id(%barrier3A)
    "tpu.region"() ({
      %run_scoped3A = tpu.sem_alloc : memref<!tpu.dma_semaphore, #tpu.memory_space<semaphore_mem>>
      %dma_start3A_359 = tpu.memref_slice %arg2[%mul3A_2] : memref<819200xi32, #tpu.memory_space<hbm>> -> memref<25600xi32, #tpu.memory_space<hbm>>
      %dma_start3A_360 = tpu.memref_slice %arg2[%mul3A_2] : memref<819200xi32, #tpu.memory_space<hbm>> -> memref<25600xi32, #tpu.memory_space<hbm>>
      tpu.enqueue_dma source(%dma_start3A_360 : memref<25600xi32, #tpu.memory_space<hbm>>) target(%arg7 : memref<25600xi32, #tpu.memory_space<vmem>>) target_semaphore(%run_scoped3A : memref<!tpu.dma_semaphore, #tpu.memory_space<semaphore_mem>>)
      %dma_wait3A_361 = tpu.memref_slice %arg2[%mul3A_2] : memref<819200xi32, #tpu.memory_space<hbm>> -> memref<25600xi32, #tpu.memory_space<hbm>>
      %dma_wait3A_362 = tpu.memref_slice %arg2[%mul3A_2] : memref<819200xi32, #tpu.memory_space<hbm>> -> memref<25600xi32, #tpu.memory_space<hbm>>
      tpu.wait_dma2 semaphore(%run_scoped3A : memref<!tpu.dma_semaphore, #tpu.memory_space<semaphore_mem>>) src(%dma_wait3A_362 : memref<25600xi32, #tpu.memory_space<hbm>>) dst(%arg7 : memref<25600xi32, #tpu.memory_space<vmem>>)
      tpu.yield
    }) : () -> ()
    "tpu.region"() ({
      %run_scoped3A = tpu.sem_alloc : memref<!tpu.dma_semaphore, #tpu.memory_space<semaphore_mem>>
      %dma_start3A_359 = tpu.memref_slice %arg3[%mul3A_2] : memref<819200xi32, #tpu.memory_space<hbm>> -> memref<25600xi32, #tpu.memory_space<hbm>>
      %dma_start3A_360 = tpu.memref_slice %arg3[%mul3A_2] : memref<819200xi32, #tpu.memory_space<hbm>> -> memref<25600xi32, #tpu.memory_space<hbm>>
      tpu.enqueue_dma source(%dma_start3A_360 : memref<25600xi32, #tpu.memory_space<hbm>>) target(%arg8 : memref<25600xi32, #tpu.memory_space<vmem>>) target_semaphore(%run_scoped3A : memref<!tpu.dma_semaphore, #tpu.memory_space<semaphore_mem>>)
      %dma_wait3A_361 = tpu.memref_slice %arg3[%mul3A_2] : memref<819200xi32, #tpu.memory_space<hbm>> -> memref<25600xi32, #tpu.memory_space<hbm>>
      %dma_wait3A_362 = tpu.memref_slice %arg3[%mul3A_2] : memref<819200xi32, #tpu.memory_space<hbm>> -> memref<25600xi32, #tpu.memory_space<hbm>>
      tpu.wait_dma2 semaphore(%run_scoped3A : memref<!tpu.dma_semaphore, #tpu.memory_space<semaphore_mem>>) src(%dma_wait3A_362 : memref<25600xi32, #tpu.memory_space<hbm>>) dst(%arg8 : memref<25600xi32, #tpu.memory_space<vmem>>)
      tpu.yield
    }) : () -> ()
    %dma_start3A = arith.constant 0 : i32
    %dma_start3A_5 = arith.constant 0 : i32
    %dma_start3A_6 = arith.constant 0 : i32
    %dma_start3A_7 = arith.constant 0 : i32
    %dma_start3A_8 = tpu.memref_slice %arg9[%dma_start3A, %dma_start3A_6, %dma_start3A_7] : memref<4x128x128xf32, #tpu.memory_space<vmem>> -> memref<1x128x128xf32, #tpu.memory_space<vmem>>
    %dma_start3A_9 = tpu.memref_squeeze %dma_start3A_8 : memref<1x128x128xf32, #tpu.memory_space<vmem>> -> memref<128x128xf32, #tpu.memory_space<vmem>>
    %dma_start3A_10 = arith.constant 0 : i32
    %dma_start3A_11 = tpu.memref_slice %arg7[%dma_start3A_10] : memref<25600xi32, #tpu.memory_space<vmem>> -> memref<128xi32, #tpu.memory_space<vmem>>
    %dma_start3A_12 = arith.constant 0 : i32
    %dma_start3A_13 = arith.constant 0 : i32
    %dma_start3A_14 = tpu.memref_slice %arg4[%dma_start3A_12, %dma_start3A_13] : memref<1000000x128xf32, #tpu.memory_space<hbm>> -> memref<1000000x128xf32, #tpu.memory_space<hbm>>
    %dma_start3A_15 = tpu.memref_slice %arg11[%dma_start3A_5] : memref<4x!tpu.dma_semaphore, #tpu.memory_space<semaphore_mem>> -> memref<1x!tpu.dma_semaphore, #tpu.memory_space<semaphore_mem>>
    %dma_start3A_16 = tpu.memref_squeeze %dma_start3A_15 : memref<1x!tpu.dma_semaphore, #tpu.memory_space<semaphore_mem>> -> memref<!tpu.dma_semaphore, #tpu.memory_space<semaphore_mem>>
    tpu.enqueue_indirect_dma source(%dma_start3A_14 : memref<1000000x128xf32, #tpu.memory_space<hbm>>) target(%dma_start3A_9 : memref<128x128xf32, #tpu.memory_space<vmem>>) offsets(%dma_start3A_11 : memref<128xi32, #tpu.memory_space<vmem>>) semaphore(%dma_start3A_16 : memref<!tpu.dma_semaphore, #tpu.memory_space<semaphore_mem>>)
    %dma_start3A_17 = arith.constant 1 : i32
    %dma_start3A_18 = arith.constant 1 : i32
    %dma_start3A_19 = arith.constant 0 : i32
    %dma_start3A_20 = arith.constant 0 : i32
    %dma_start3A_21 = tpu.memref_slice %arg9[%dma_start3A_17, %dma_start3A_19, %dma_start3A_20] : memref<4x128x128xf32, #tpu.memory_space<vmem>> -> memref<1x128x128xf32, #tpu.memory_space<vmem>>
    %dma_start3A_22 = tpu.memref_squeeze %dma_start3A_21 : memref<1x128x128xf32, #tpu.memory_space<vmem>> -> memref<128x128xf32, #tpu.memory_space<vmem>>
    %dma_start3A_23 = arith.constant 128 : i32
    %dma_start3A_24 = tpu.memref_slice %arg7[%dma_start3A_23] : memref<25600xi32, #tpu.memory_space<vmem>> -> memref<128xi32, #tpu.memory_space<vmem>>
    %dma_start3A_25 = arith.constant 0 : i32
    %dma_start3A_26 = arith.constant 0 : i32
    %dma_start3A_27 = tpu.memref_slice %arg4[%dma_start3A_25, %dma_start3A_26] : memref<1000000x128xf32, #tpu.memory_space<hbm>> -> memref<1000000x128xf32, #tpu.memory_space<hbm>>
    %dma_start3A_28 = tpu.memref_slice %arg11[%dma_start3A_18] : memref<4x!tpu.dma_semaphore, #tpu.memory_space<semaphore_mem>> -> memref<1x!tpu.dma_semaphore, #tpu.memory_space<semaphore_mem>>
    %dma_start3A_29 = tpu.memref_squeeze %dma_start3A_28 : memref<1x!tpu.dma_semaphore, #tpu.memory_space<semaphore_mem>> -> memref<!tpu.dma_semaphore, #tpu.memory_space<semaphore_mem>>
    tpu.enqueue_indirect_dma source(%dma_start3A_27 : memref<1000000x128xf32, #tpu.memory_space<hbm>>) target(%dma_start3A_22 : memref<128x128xf32, #tpu.memory_space<vmem>>) offsets(%dma_start3A_24 : memref<128xi32, #tpu.memory_space<vmem>>) semaphore(%dma_start3A_29 : memref<!tpu.dma_semaphore, #tpu.memory_space<semaphore_mem>>)
    %dma_start3A_30 = arith.constant 2 : i32
    %dma_start3A_31 = arith.constant 2 : i32
    %dma_start3A_32 = arith.constant 0 : i32
    %dma_start3A_33 = arith.constant 0 : i32
    %dma_start3A_34 = tpu.memref_slice %arg9[%dma_start3A_30, %dma_start3A_32, %dma_start3A_33] : memref<4x128x128xf32, #tpu.memory_space<vmem>> -> memref<1x128x128xf32, #tpu.memory_space<vmem>>
    %dma_start3A_35 = tpu.memref_squeeze %dma_start3A_34 : memref<1x128x128xf32, #tpu.memory_space<vmem>> -> memref<128x128xf32, #tpu.memory_space<vmem>>
    %dma_start3A_36 = arith.constant 256 : i32
    %dma_start3A_37 = tpu.memref_slice %arg7[%dma_start3A_36] : memref<25600xi32, #tpu.memory_space<vmem>> -> memref<128xi32, #tpu.memory_space<vmem>>
    %dma_start3A_38 = arith.constant 0 : i32
    %dma_start3A_39 = arith.constant 0 : i32
    %dma_start3A_40 = tpu.memref_slice %arg4[%dma_start3A_38, %dma_start3A_39] : memref<1000000x128xf32, #tpu.memory_space<hbm>> -> memref<1000000x128xf32, #tpu.memory_space<hbm>>
    %dma_start3A_41 = tpu.memref_slice %arg11[%dma_start3A_31] : memref<4x!tpu.dma_semaphore, #tpu.memory_space<semaphore_mem>> -> memref<1x!tpu.dma_semaphore, #tpu.memory_space<semaphore_mem>>
    %dma_start3A_42 = tpu.memref_squeeze %dma_start3A_41 : memref<1x!tpu.dma_semaphore, #tpu.memory_space<semaphore_mem>> -> memref<!tpu.dma_semaphore, #tpu.memory_space<semaphore_mem>>
    tpu.enqueue_indirect_dma source(%dma_start3A_40 : memref<1000000x128xf32, #tpu.memory_space<hbm>>) target(%dma_start3A_35 : memref<128x128xf32, #tpu.memory_space<vmem>>) offsets(%dma_start3A_37 : memref<128xi32, #tpu.memory_space<vmem>>) semaphore(%dma_start3A_42 : memref<!tpu.dma_semaphore, #tpu.memory_space<semaphore_mem>>)
    %dma_wait3A = arith.constant 0 : i32
    %dma_wait3A_43 = arith.constant 0 : i32
    %dma_wait3A_44 = arith.constant 0 : i32
    %dma_wait3A_45 = arith.constant 0 : i32
    %dma_wait3A_46 = tpu.memref_slice %arg9[%dma_wait3A, %dma_wait3A_44, %dma_wait3A_45] : memref<4x128x128xf32, #tpu.memory_space<vmem>> -> memref<1x128x128xf32, #tpu.memory_space<vmem>>
    %dma_wait3A_47 = tpu.memref_squeeze %dma_wait3A_46 : memref<1x128x128xf32, #tpu.memory_space<vmem>> -> memref<128x128xf32, #tpu.memory_space<vmem>>
    %dma_wait3A_48 = arith.constant 0 : i32
    %dma_wait3A_49 = tpu.memref_slice %arg7[%dma_wait3A_48] : memref<25600xi32, #tpu.memory_space<vmem>> -> memref<128xi32, #tpu.memory_space<vmem>>
    %dma_wait3A_50 = arith.constant 0 : i32
    %dma_wait3A_51 = arith.constant 0 : i32
    %dma_wait3A_52 = tpu.memref_slice %arg4[%dma_wait3A_50, %dma_wait3A_51] : memref<1000000x128xf32, #tpu.memory_space<hbm>> -> memref<1000000x128xf32, #tpu.memory_space<hbm>>
    %dma_wait3A_53 = tpu.memref_slice %arg11[%dma_wait3A_43] : memref<4x!tpu.dma_semaphore, #tpu.memory_space<semaphore_mem>> -> memref<1x!tpu.dma_semaphore, #tpu.memory_space<semaphore_mem>>
    %dma_wait3A_54 = tpu.memref_squeeze %dma_wait3A_53 : memref<1x!tpu.dma_semaphore, #tpu.memory_space<semaphore_mem>> -> memref<!tpu.dma_semaphore, #tpu.memory_space<semaphore_mem>>
    tpu.wait_indirect_dma semaphore(%dma_wait3A_54 : memref<!tpu.dma_semaphore, #tpu.memory_space<semaphore_mem>>) src(%dma_wait3A_52 : memref<1000000x128xf32, #tpu.memory_space<hbm>>) dst(%dma_wait3A_47 : memref<128x128xf32, #tpu.memory_space<vmem>>)
    %dma_start3A_55 = arith.constant 0 : i32
    %dma_start3A_56 = arith.constant 0 : i32
    %dma_start3A_57 = arith.constant 0 : i32
    %dma_start3A_58 = arith.constant 0 : i32
    %dma_start3A_59 = tpu.memref_slice %arg9[%dma_start3A_55, %dma_start3A_57, %dma_start3A_58] : memref<4x128x128xf32, #tpu.memory_space<vmem>> -> memref<1x128x128xf32, #tpu.memory_space<vmem>>
    %dma_start3A_60 = tpu.memref_squeeze %dma_start3A_59 : memref<1x128x128xf32, #tpu.memory_space<vmem>> -> memref<128x128xf32, #tpu.memory_space<vmem>>
    %dma_start3A_61 = arith.constant 0 : i32
    %dma_start3A_62 = tpu.memref_slice %arg8[%dma_start3A_61] : memref<25600xi32, #tpu.memory_space<vmem>> -> memref<128xi32, #tpu.memory_space<vmem>>
    %dma_start3A_63 = arith.constant 0 : i32
    %dma_start3A_64 = arith.constant 0 : i32
    %dma_start3A_65 = tpu.memref_slice %arg10[%dma_start3A_63, %dma_start3A_64] : memref<1000x128xf32, #tpu.memory_space<vmem_shared>> -> memref<1000x128xf32, #tpu.memory_space<vmem_shared>>
    %dma_start3A_66 = tpu.memref_slice %arg12[%dma_start3A_56] : memref<4x!tpu.dma_semaphore, #tpu.memory_space<semaphore_mem>> -> memref<1x!tpu.dma_semaphore, #tpu.memory_space<semaphore_mem>>
    %dma_start3A_67 = tpu.memref_squeeze %dma_start3A_66 : memref<1x!tpu.dma_semaphore, #tpu.memory_space<semaphore_mem>> -> memref<!tpu.dma_semaphore, #tpu.memory_space<semaphore_mem>>
    tpu.enqueue_indirect_dma source(%dma_start3A_65 : memref<1000x128xf32, #tpu.memory_space<vmem_shared>>) target(%dma_start3A_60 : memref<128x128xf32, #tpu.memory_space<vmem>>) offsets(%dma_start3A_62 : memref<128xi32, #tpu.memory_space<vmem>>) semaphore(%dma_start3A_67 : memref<!tpu.dma_semaphore, #tpu.memory_space<semaphore_mem>>) {add = true}
    %dma_start3A_68 = arith.constant 3 : i32
    %dma_start3A_69 = arith.constant 3 : i32
    %dma_start3A_70 = arith.constant 0 : i32
    %dma_start3A_71 = arith.constant 0 : i32
    %dma_start3A_72 = tpu.memref_slice %arg9[%dma_start3A_68, %dma_start3A_70, %dma_start3A_71] : memref<4x128x128xf32, #tpu.memory_space<vmem>> -> memref<1x128x128xf32, #tpu.memory_space<vmem>>
    %dma_start3A_73 = tpu.memref_squeeze %dma_start3A_72 : memref<1x128x128xf32, #tpu.memory_space<vmem>> -> memref<128x128xf32, #tpu.memory_space<vmem>>
    %dma_start3A_74 = arith.constant 384 : i32
    %dma_start3A_75 = tpu.memref_slice %arg7[%dma_start3A_74] : memref<25600xi32, #tpu.memory_space<vmem>> -> memref<128xi32, #tpu.memory_space<vmem>>
    %dma_start3A_76 = arith.constant 0 : i32
    %dma_start3A_77 = arith.constant 0 : i32
    %dma_start3A_78 = tpu.memref_slice %arg4[%dma_start3A_76, %dma_start3A_77] : memref<1000000x128xf32, #tpu.memory_space<hbm>> -> memref<1000000x128xf32, #tpu.memory_space<hbm>>
    %dma_start3A_79 = tpu.memref_slice %arg11[%dma_start3A_69] : memref<4x!tpu.dma_semaphore, #tpu.memory_space<semaphore_mem>> -> memref<1x!tpu.dma_semaphore, #tpu.memory_space<semaphore_mem>>
    %dma_start3A_80 = tpu.memref_squeeze %dma_start3A_79 : memref<1x!tpu.dma_semaphore, #tpu.memory_space<semaphore_mem>> -> memref<!tpu.dma_semaphore, #tpu.memory_space<semaphore_mem>>
    tpu.enqueue_indirect_dma source(%dma_start3A_78 : memref<1000000x128xf32, #tpu.memory_space<hbm>>) target(%dma_start3A_73 : memref<128x128xf32, #tpu.memory_space<vmem>>) offsets(%dma_start3A_75 : memref<128xi32, #tpu.memory_space<vmem>>) semaphore(%dma_start3A_80 : memref<!tpu.dma_semaphore, #tpu.memory_space<semaphore_mem>>)
    %dma_wait3A_81 = arith.constant 1 : i32
    %dma_wait3A_82 = arith.constant 1 : i32
    %dma_wait3A_83 = arith.constant 0 : i32
    %dma_wait3A_84 = arith.constant 0 : i32
    %dma_wait3A_85 = tpu.memref_slice %arg9[%dma_wait3A_81, %dma_wait3A_83, %dma_wait3A_84] : memref<4x128x128xf32, #tpu.memory_space<vmem>> -> memref<1x128x128xf32, #tpu.memory_space<vmem>>
    %dma_wait3A_86 = tpu.memref_squeeze %dma_wait3A_85 : memref<1x128x128xf32, #tpu.memory_space<vmem>> -> memref<128x128xf32, #tpu.memory_space<vmem>>
    %dma_wait3A_87 = arith.constant 128 : i32
    %dma_wait3A_88 = tpu.memref_slice %arg7[%dma_wait3A_87] : memref<25600xi32, #tpu.memory_space<vmem>> -> memref<128xi32, #tpu.memory_space<vmem>>
    %dma_wait3A_89 = arith.constant 0 : i32
    %dma_wait3A_90 = arith.constant 0 : i32
    %dma_wait3A_91 = tpu.memref_slice %arg4[%dma_wait3A_89, %dma_wait3A_90] : memref<1000000x128xf32, #tpu.memory_space<hbm>> -> memref<1000000x128xf32, #tpu.memory_space<hbm>>
    %dma_wait3A_92 = tpu.memref_slice %arg11[%dma_wait3A_82] : memref<4x!tpu.dma_semaphore, #tpu.memory_space<semaphore_mem>> -> memref<1x!tpu.dma_semaphore, #tpu.memory_space<semaphore_mem>>
    %dma_wait3A_93 = tpu.memref_squeeze %dma_wait3A_92 : memref<1x!tpu.dma_semaphore, #tpu.memory_space<semaphore_mem>> -> memref<!tpu.dma_semaphore, #tpu.memory_space<semaphore_mem>>
    tpu.wait_indirect_dma semaphore(%dma_wait3A_93 : memref<!tpu.dma_semaphore, #tpu.memory_space<semaphore_mem>>) src(%dma_wait3A_91 : memref<1000000x128xf32, #tpu.memory_space<hbm>>) dst(%dma_wait3A_86 : memref<128x128xf32, #tpu.memory_space<vmem>>)
    %dma_start3A_94 = arith.constant 1 : i32
    %dma_start3A_95 = arith.constant 1 : i32
    %dma_start3A_96 = arith.constant 0 : i32
    %dma_start3A_97 = arith.constant 0 : i32
    %dma_start3A_98 = tpu.memref_slice %arg9[%dma_start3A_94, %dma_start3A_96, %dma_start3A_97] : memref<4x128x128xf32, #tpu.memory_space<vmem>> -> memref<1x128x128xf32, #tpu.memory_space<vmem>>
    %dma_start3A_99 = tpu.memref_squeeze %dma_start3A_98 : memref<1x128x128xf32, #tpu.memory_space<vmem>> -> memref<128x128xf32, #tpu.memory_space<vmem>>
    %dma_start3A_100 = arith.constant 128 : i32
    %dma_start3A_101 = tpu.memref_slice %arg8[%dma_start3A_100] : memref<25600xi32, #tpu.memory_space<vmem>> -> memref<128xi32, #tpu.memory_space<vmem>>
    %dma_start3A_102 = arith.constant 0 : i32
    %dma_start3A_103 = arith.constant 0 : i32
    %dma_start3A_104 = tpu.memref_slice %arg10[%dma_start3A_102, %dma_start3A_103] : memref<1000x128xf32, #tpu.memory_space<vmem_shared>> -> memref<1000x128xf32, #tpu.memory_space<vmem_shared>>
    %dma_start3A_105 = tpu.memref_slice %arg12[%dma_start3A_95] : memref<4x!tpu.dma_semaphore, #tpu.memory_space<semaphore_mem>> -> memref<1x!tpu.dma_semaphore, #tpu.memory_space<semaphore_mem>>
    %dma_start3A_106 = tpu.memref_squeeze %dma_start3A_105 : memref<1x!tpu.dma_semaphore, #tpu.memory_space<semaphore_mem>> -> memref<!tpu.dma_semaphore, #tpu.memory_space<semaphore_mem>>
    tpu.enqueue_indirect_dma source(%dma_start3A_104 : memref<1000x128xf32, #tpu.memory_space<vmem_shared>>) target(%dma_start3A_99 : memref<128x128xf32, #tpu.memory_space<vmem>>) offsets(%dma_start3A_101 : memref<128xi32, #tpu.memory_space<vmem>>) semaphore(%dma_start3A_106 : memref<!tpu.dma_semaphore, #tpu.memory_space<semaphore_mem>>) {add = true}
    %dma_wait3A_107 = arith.constant 0 : i32
    %dma_wait3A_108 = arith.constant 0 : i32
    %dma_wait3A_109 = arith.constant 0 : i32
    %dma_wait3A_110 = arith.constant 0 : i32
    %dma_wait3A_111 = tpu.memref_slice %arg9[%dma_wait3A_107, %dma_wait3A_109, %dma_wait3A_110] : memref<4x128x128xf32, #tpu.memory_space<vmem>> -> memref<1x128x128xf32, #tpu.memory_space<vmem>>
    %dma_wait3A_112 = tpu.memref_squeeze %dma_wait3A_111 : memref<1x128x128xf32, #tpu.memory_space<vmem>> -> memref<128x128xf32, #tpu.memory_space<vmem>>
    %dma_wait3A_113 = arith.constant 0 : i32
    %dma_wait3A_114 = tpu.memref_slice %arg8[%dma_wait3A_113] : memref<25600xi32, #tpu.memory_space<vmem>> -> memref<128xi32, #tpu.memory_space<vmem>>
    %dma_wait3A_115 = arith.constant 0 : i32
    %dma_wait3A_116 = arith.constant 0 : i32
    %dma_wait3A_117 = tpu.memref_slice %arg10[%dma_wait3A_115, %dma_wait3A_116] : memref<1000x128xf32, #tpu.memory_space<vmem_shared>> -> memref<1000x128xf32, #tpu.memory_space<vmem_shared>>
    %dma_wait3A_118 = tpu.memref_slice %arg12[%dma_wait3A_108] : memref<4x!tpu.dma_semaphore, #tpu.memory_space<semaphore_mem>> -> memref<1x!tpu.dma_semaphore, #tpu.memory_space<semaphore_mem>>
    %dma_wait3A_119 = tpu.memref_squeeze %dma_wait3A_118 : memref<1x!tpu.dma_semaphore, #tpu.memory_space<semaphore_mem>> -> memref<!tpu.dma_semaphore, #tpu.memory_space<semaphore_mem>>
    tpu.wait_indirect_dma semaphore(%dma_wait3A_119 : memref<!tpu.dma_semaphore, #tpu.memory_space<semaphore_mem>>) src(%dma_wait3A_117 : memref<1000x128xf32, #tpu.memory_space<vmem_shared>>) dst(%dma_wait3A_112 : memref<128x128xf32, #tpu.memory_space<vmem>>)
    %add3A_120 = arith.constant 0 : i32
    %add3A_121 = arith.addi %mul3A_2, %add3A_120 : i32
    %dma_start3A_122 = arith.constant 0 : i32
    %dma_start3A_123 = arith.constant 0 : i32
    %dma_start3A_124 = arith.constant 0 : i32
    %dma_start3A_125 = arith.constant 0 : i32
    %dma_start3A_126 = tpu.memref_slice %arg9[%dma_start3A_122, %dma_start3A_124, %dma_start3A_125] : memref<4x128x128xf32, #tpu.memory_space<vmem>> -> memref<1x128x128xf32, #tpu.memory_space<vmem>>
    %dma_start3A_127 = tpu.memref_squeeze %dma_start3A_126 : memref<1x128x128xf32, #tpu.memory_space<vmem>> -> memref<128x128xf32, #tpu.memory_space<vmem>>
    %dma_start3A_128 = arith.constant 0 : i32
    %dma_start3A_129 = tpu.memref_slice %arg6[%add3A_121, %dma_start3A_128] : memref<819200x128xf32, #tpu.memory_space<hbm>> -> memref<128x128xf32, #tpu.memory_space<hbm>>
    %dma_start3A_130 = tpu.memref_slice %arg13[%dma_start3A_123] : memref<4x!tpu.dma_semaphore, #tpu.memory_space<semaphore_mem>> -> memref<1x!tpu.dma_semaphore, #tpu.memory_space<semaphore_mem>>
    %dma_start3A_131 = tpu.memref_squeeze %dma_start3A_130 : memref<1x!tpu.dma_semaphore, #tpu.memory_space<semaphore_mem>> -> memref<!tpu.dma_semaphore, #tpu.memory_space<semaphore_mem>>
    %dma_start3A_132 = arith.constant 0 : i32
    %dma_start3A_133 = tpu.memref_slice %arg6[%add3A_121, %dma_start3A_132] : memref<819200x128xf32, #tpu.memory_space<hbm>> -> memref<128x128xf32, #tpu.memory_space<hbm>>
    %dma_start3A_134 = arith.constant 0 : i32
    %dma_start3A_135 = arith.constant 0 : i32
    %dma_start3A_136 = tpu.memref_slice %arg9[%dma_start3A_122, %dma_start3A_134, %dma_start3A_135] : memref<4x128x128xf32, #tpu.memory_space<vmem>> -> memref<1x128x128xf32, #tpu.memory_space<vmem>>
    %dma_start3A_137 = tpu.memref_squeeze %dma_start3A_136 : memref<1x128x128xf32, #tpu.memory_space<vmem>> -> memref<128x128xf32, #tpu.memory_space<vmem>>
    tpu.enqueue_dma source(%dma_start3A_137 : memref<128x128xf32, #tpu.memory_space<vmem>>) target(%dma_start3A_133 : memref<128x128xf32, #tpu.memory_space<hbm>>) target_semaphore(%dma_start3A_131 : memref<!tpu.dma_semaphore, #tpu.memory_space<semaphore_mem>>)
    %scan3A = arith.constant 0 : i32
    %scan3A_138 = arith.constant 49 : i32
    %scan3A_139 = arith.addi %scan3A, %scan3A_138 : i32
    %scan3A_140 = arith.constant 1 : i32
    scf.for %scan3A_359 = %scan3A to %scan3A_139 step %scan3A_140  : i32 {
      %mul3A_360 = arith.constant 4 : i32
      %mul3A_361 = arith.muli %scan3A_359, %mul3A_360 : i32
      %add3A_362 = arith.constant 4 : i32
      %add3A_363 = arith.addi %add3A_362, %mul3A_361 : i32
      %add3A_364 = arith.constant 0 : i32
      %add3A_365 = arith.addi %add3A_363, %add3A_364 : i32
      %sub3A = arith.constant 4 : i32
      %sub3A_366 = arith.subi %add3A_365, %sub3A : i32
      %mul3A_367 = arith.constant 128 : i32
      %mul3A_368 = arith.muli %sub3A_366, %mul3A_367 : i32
      %add3A_369 = arith.addi %mul3A_2, %mul3A_368 : i32
      %dma_wait3A_370 = arith.constant 0 : i32
      %dma_wait3A_371 = arith.constant 0 : i32
      %dma_wait3A_372 = arith.constant 0 : i32
      %dma_wait3A_373 = arith.constant 0 : i32
      %dma_wait3A_374 = tpu.memref_slice %arg9[%dma_wait3A_370, %dma_wait3A_372, %dma_wait3A_373] : memref<4x128x128xf32, #tpu.memory_space<vmem>> -> memref<1x128x128xf32, #tpu.memory_space<vmem>>
      %dma_wait3A_375 = tpu.memref_squeeze %dma_wait3A_374 : memref<1x128x128xf32, #tpu.memory_space<vmem>> -> memref<128x128xf32, #tpu.memory_space<vmem>>
      %dma_wait3A_376 = arith.constant 0 : i32
      %dma_wait3A_377 = tpu.memref_slice %arg6[%add3A_369, %dma_wait3A_376] : memref<819200x128xf32, #tpu.memory_space<hbm>> -> memref<128x128xf32, #tpu.memory_space<hbm>>
      %dma_wait3A_378 = tpu.memref_slice %arg13[%dma_wait3A_371] : memref<4x!tpu.dma_semaphore, #tpu.memory_space<semaphore_mem>> -> memref<1x!tpu.dma_semaphore, #tpu.memory_space<semaphore_mem>>
      %dma_wait3A_379 = tpu.memref_squeeze %dma_wait3A_378 : memref<1x!tpu.dma_semaphore, #tpu.memory_space<semaphore_mem>> -> memref<!tpu.dma_semaphore, #tpu.memory_space<semaphore_mem>>
      %dma_wait3A_380 = arith.constant 0 : i32
      %dma_wait3A_381 = tpu.memref_slice %arg6[%add3A_369, %dma_wait3A_380] : memref<819200x128xf32, #tpu.memory_space<hbm>> -> memref<128x128xf32, #tpu.memory_space<hbm>>
      %dma_wait3A_382 = arith.constant 0 : i32
      %dma_wait3A_383 = arith.constant 0 : i32
      %dma_wait3A_384 = tpu.memref_slice %arg9[%dma_wait3A_370, %dma_wait3A_382, %dma_wait3A_383] : memref<4x128x128xf32, #tpu.memory_space<vmem>> -> memref<1x128x128xf32, #tpu.memory_space<vmem>>
      %dma_wait3A_385 = tpu.memref_squeeze %dma_wait3A_384 : memref<1x128x128xf32, #tpu.memory_space<vmem>> -> memref<128x128xf32, #tpu.memory_space<vmem>>
      tpu.wait_dma2 semaphore(%dma_wait3A_379 : memref<!tpu.dma_semaphore, #tpu.memory_space<semaphore_mem>>) src(%dma_wait3A_385 : memref<128x128xf32, #tpu.memory_space<vmem>>) dst(%dma_wait3A_381 : memref<128x128xf32, #tpu.memory_space<hbm>>)
      %mul3A_386 = arith.constant 128 : i32
      %mul3A_387 = arith.muli %add3A_365, %mul3A_386 : i32
      %dma_start3A_388 = arith.constant 0 : i32
      %dma_start3A_389 = arith.constant 0 : i32
      %dma_start3A_390 = arith.constant 0 : i32
      %dma_start3A_391 = arith.constant 0 : i32
      %dma_start3A_392 = tpu.memref_slice %arg9[%dma_start3A_388, %dma_start3A_390, %dma_start3A_391] : memref<4x128x128xf32, #tpu.memory_space<vmem>> -> memref<1x128x128xf32, #tpu.memory_space<vmem>>
      %dma_start3A_393 = tpu.memref_squeeze %dma_start3A_392 : memref<1x128x128xf32, #tpu.memory_space<vmem>> -> memref<128x128xf32, #tpu.memory_space<vmem>>
      %dma_start3A_394 = tpu.memref_slice %arg7[%mul3A_387] : memref<25600xi32, #tpu.memory_space<vmem>> -> memref<128xi32, #tpu.memory_space<vmem>>
      %dma_start3A_395 = arith.constant 0 : i32
      %dma_start3A_396 = arith.constant 0 : i32
      %dma_start3A_397 = tpu.memref_slice %arg4[%dma_start3A_395, %dma_start3A_396] : memref<1000000x128xf32, #tpu.memory_space<hbm>> -> memref<1000000x128xf32, #tpu.memory_space<hbm>>
      %dma_start3A_398 = tpu.memref_slice %arg11[%dma_start3A_389] : memref<4x!tpu.dma_semaphore, #tpu.memory_space<semaphore_mem>> -> memref<1x!tpu.dma_semaphore, #tpu.memory_space<semaphore_mem>>
      %dma_start3A_399 = tpu.memref_squeeze %dma_start3A_398 : memref<1x!tpu.dma_semaphore, #tpu.memory_space<semaphore_mem>> -> memref<!tpu.dma_semaphore, #tpu.memory_space<semaphore_mem>>
      tpu.enqueue_indirect_dma source(%dma_start3A_397 : memref<1000000x128xf32, #tpu.memory_space<hbm>>) target(%dma_start3A_393 : memref<128x128xf32, #tpu.memory_space<vmem>>) offsets(%dma_start3A_394 : memref<128xi32, #tpu.memory_space<vmem>>) semaphore(%dma_start3A_399 : memref<!tpu.dma_semaphore, #tpu.memory_space<semaphore_mem>>)
      %sub3A_400 = arith.constant 2 : i32
      %sub3A_401 = arith.subi %add3A_365, %sub3A_400 : i32
      %mul3A_402 = arith.constant 128 : i32
      %mul3A_403 = arith.muli %sub3A_401, %mul3A_402 : i32
      %dma_wait3A_404 = arith.constant 2 : i32
      %dma_wait3A_405 = arith.constant 2 : i32
      %dma_wait3A_406 = arith.constant 0 : i32
      %dma_wait3A_407 = arith.constant 0 : i32
      %dma_wait3A_408 = tpu.memref_slice %arg9[%dma_wait3A_404, %dma_wait3A_406, %dma_wait3A_407] : memref<4x128x128xf32, #tpu.memory_space<vmem>> -> memref<1x128x128xf32, #tpu.memory_space<vmem>>
      %dma_wait3A_409 = tpu.memref_squeeze %dma_wait3A_408 : memref<1x128x128xf32, #tpu.memory_space<vmem>> -> memref<128x128xf32, #tpu.memory_space<vmem>>
      %dma_wait3A_410 = tpu.memref_slice %arg7[%mul3A_403] : memref<25600xi32, #tpu.memory_space<vmem>> -> memref<128xi32, #tpu.memory_space<vmem>>
      %dma_wait3A_411 = arith.constant 0 : i32
      %dma_wait3A_412 = arith.constant 0 : i32
      %dma_wait3A_413 = tpu.memref_slice %arg4[%dma_wait3A_411, %dma_wait3A_412] : memref<1000000x128xf32, #tpu.memory_space<hbm>> -> memref<1000000x128xf32, #tpu.memory_space<hbm>>
      %dma_wait3A_414 = tpu.memref_slice %arg11[%dma_wait3A_405] : memref<4x!tpu.dma_semaphore, #tpu.memory_space<semaphore_mem>> -> memref<1x!tpu.dma_semaphore, #tpu.memory_space<semaphore_mem>>
      %dma_wait3A_415 = tpu.memref_squeeze %dma_wait3A_414 : memref<1x!tpu.dma_semaphore, #tpu.memory_space<semaphore_mem>> -> memref<!tpu.dma_semaphore, #tpu.memory_space<semaphore_mem>>
      tpu.wait_indirect_dma semaphore(%dma_wait3A_415 : memref<!tpu.dma_semaphore, #tpu.memory_space<semaphore_mem>>) src(%dma_wait3A_413 : memref<1000000x128xf32, #tpu.memory_space<hbm>>) dst(%dma_wait3A_409 : memref<128x128xf32, #tpu.memory_space<vmem>>)
      %sub3A_416 = arith.constant 2 : i32
      %sub3A_417 = arith.subi %add3A_365, %sub3A_416 : i32
      %mul3A_418 = arith.constant 128 : i32
      %mul3A_419 = arith.muli %sub3A_417, %mul3A_418 : i32
      %dma_start3A_420 = arith.constant 2 : i32
      %dma_start3A_421 = arith.constant 2 : i32
      %dma_start3A_422 = arith.constant 0 : i32
      %dma_start3A_423 = arith.constant 0 : i32
      %dma_start3A_424 = tpu.memref_slice %arg9[%dma_start3A_420, %dma_start3A_422, %dma_start3A_423] : memref<4x128x128xf32, #tpu.memory_space<vmem>> -> memref<1x128x128xf32, #tpu.memory_space<vmem>>
      %dma_start3A_425 = tpu.memref_squeeze %dma_start3A_424 : memref<1x128x128xf32, #tpu.memory_space<vmem>> -> memref<128x128xf32, #tpu.memory_space<vmem>>
      %dma_start3A_426 = tpu.memref_slice %arg8[%mul3A_419] : memref<25600xi32, #tpu.memory_space<vmem>> -> memref<128xi32, #tpu.memory_space<vmem>>
      %dma_start3A_427 = arith.constant 0 : i32
      %dma_start3A_428 = arith.constant 0 : i32
      %dma_start3A_429 = tpu.memref_slice %arg10[%dma_start3A_427, %dma_start3A_428] : memref<1000x128xf32, #tpu.memory_space<vmem_shared>> -> memref<1000x128xf32, #tpu.memory_space<vmem_shared>>
      %dma_start3A_430 = tpu.memref_slice %arg12[%dma_start3A_421] : memref<4x!tpu.dma_semaphore, #tpu.memory_space<semaphore_mem>> -> memref<1x!tpu.dma_semaphore, #tpu.memory_space<semaphore_mem>>
      %dma_start3A_431 = tpu.memref_squeeze %dma_start3A_430 : memref<1x!tpu.dma_semaphore, #tpu.memory_space<semaphore_mem>> -> memref<!tpu.dma_semaphore, #tpu.memory_space<semaphore_mem>>
      tpu.enqueue_indirect_dma source(%dma_start3A_429 : memref<1000x128xf32, #tpu.memory_space<vmem_shared>>) target(%dma_start3A_425 : memref<128x128xf32, #tpu.memory_space<vmem>>) offsets(%dma_start3A_426 : memref<128xi32, #tpu.memory_space<vmem>>) semaphore(%dma_start3A_431 : memref<!tpu.dma_semaphore, #tpu.memory_space<semaphore_mem>>) {add = true}
      %sub3A_432 = arith.constant 3 : i32
      %sub3A_433 = arith.subi %add3A_365, %sub3A_432 : i32
      %mul3A_434 = arith.constant 128 : i32
      %mul3A_435 = arith.muli %sub3A_433, %mul3A_434 : i32
      %dma_wait3A_436 = arith.constant 1 : i32
      %dma_wait3A_437 = arith.constant 1 : i32
      %dma_wait3A_438 = arith.constant 0 : i32
      %dma_wait3A_439 = arith.constant 0 : i32
      %dma_wait3A_440 = tpu.memref_slice %arg9[%dma_wait3A_436, %dma_wait3A_438, %dma_wait3A_439] : memref<4x128x128xf32, #tpu.memory_space<vmem>> -> memref<1x128x128xf32, #tpu.memory_space<vmem>>
      %dma_wait3A_441 = tpu.memref_squeeze %dma_wait3A_440 : memref<1x128x128xf32, #tpu.memory_space<vmem>> -> memref<128x128xf32, #tpu.memory_space<vmem>>
      %dma_wait3A_442 = tpu.memref_slice %arg8[%mul3A_435] : memref<25600xi32, #tpu.memory_space<vmem>> -> memref<128xi32, #tpu.memory_space<vmem>>
      %dma_wait3A_443 = arith.constant 0 : i32
      %dma_wait3A_444 = arith.constant 0 : i32
      %dma_wait3A_445 = tpu.memref_slice %arg10[%dma_wait3A_443, %dma_wait3A_444] : memref<1000x128xf32, #tpu.memory_space<vmem_shared>> -> memref<1000x128xf32, #tpu.memory_space<vmem_shared>>
      %dma_wait3A_446 = tpu.memref_slice %arg12[%dma_wait3A_437] : memref<4x!tpu.dma_semaphore, #tpu.memory_space<semaphore_mem>> -> memref<1x!tpu.dma_semaphore, #tpu.memory_space<semaphore_mem>>
      %dma_wait3A_447 = tpu.memref_squeeze %dma_wait3A_446 : memref<1x!tpu.dma_semaphore, #tpu.memory_space<semaphore_mem>> -> memref<!tpu.dma_semaphore, #tpu.memory_space<semaphore_mem>>
      tpu.wait_indirect_dma semaphore(%dma_wait3A_447 : memref<!tpu.dma_semaphore, #tpu.memory_space<semaphore_mem>>) src(%dma_wait3A_445 : memref<1000x128xf32, #tpu.memory_space<vmem_shared>>) dst(%dma_wait3A_441 : memref<128x128xf32, #tpu.memory_space<vmem>>)
      %sub3A_448 = arith.constant 3 : i32
      %sub3A_449 = arith.subi %add3A_365, %sub3A_448 : i32
      %mul3A_450 = arith.constant 128 : i32
      %mul3A_451 = arith.muli %sub3A_449, %mul3A_450 : i32
      %add3A_452 = arith.addi %mul3A_2, %mul3A_451 : i32
      %dma_start3A_453 = arith.constant 1 : i32
      %dma_start3A_454 = arith.constant 1 : i32
      %dma_start3A_455 = arith.constant 0 : i32
      %dma_start3A_456 = arith.constant 0 : i32
      %dma_start3A_457 = tpu.memref_slice %arg9[%dma_start3A_453, %dma_start3A_455, %dma_start3A_456] : memref<4x128x128xf32, #tpu.memory_space<vmem>> -> memref<1x128x128xf32, #tpu.memory_space<vmem>>
      %dma_start3A_458 = tpu.memref_squeeze %dma_start3A_457 : memref<1x128x128xf32, #tpu.memory_space<vmem>> -> memref<128x128xf32, #tpu.memory_space<vmem>>
      %dma_start3A_459 = arith.constant 0 : i32
      %dma_start3A_460 = tpu.memref_slice %arg6[%add3A_452, %dma_start3A_459] : memref<819200x128xf32, #tpu.memory_space<hbm>> -> memref<128x128xf32, #tpu.memory_space<hbm>>
      %dma_start3A_461 = tpu.memref_slice %arg13[%dma_start3A_454] : memref<4x!tpu.dma_semaphore, #tpu.memory_space<semaphore_mem>> -> memref<1x!tpu.dma_semaphore, #tpu.memory_space<semaphore_mem>>
      %dma_start3A_462 = tpu.memref_squeeze %dma_start3A_461 : memref<1x!tpu.dma_semaphore, #tpu.memory_space<semaphore_mem>> -> memref<!tpu.dma_semaphore, #tpu.memory_space<semaphore_mem>>
      %dma_start3A_463 = arith.constant 0 : i32
      %dma_start3A_464 = tpu.memref_slice %arg6[%add3A_452, %dma_start3A_463] : memref<819200x128xf32, #tpu.memory_space<hbm>> -> memref<128x128xf32, #tpu.memory_space<hbm>>
      %dma_start3A_465 = arith.constant 0 : i32
      %dma_start3A_466 = arith.constant 0 : i32
      %dma_start3A_467 = tpu.memref_slice %arg9[%dma_start3A_453, %dma_start3A_465, %dma_start3A_466] : memref<4x128x128xf32, #tpu.memory_space<vmem>> -> memref<1x128x128xf32, #tpu.memory_space<vmem>>
      %dma_start3A_468 = tpu.memref_squeeze %dma_start3A_467 : memref<1x128x128xf32, #tpu.memory_space<vmem>> -> memref<128x128xf32, #tpu.memory_space<vmem>>
      tpu.enqueue_dma source(%dma_start3A_468 : memref<128x128xf32, #tpu.memory_space<vmem>>) target(%dma_start3A_464 : memref<128x128xf32, #tpu.memory_space<hbm>>) target_semaphore(%dma_start3A_462 : memref<!tpu.dma_semaphore, #tpu.memory_space<semaphore_mem>>)
      %add3A_469 = arith.constant 1 : i32
      %add3A_470 = arith.addi %add3A_363, %add3A_469 : i32
      %sub3A_471 = arith.constant 4 : i32
      %sub3A_472 = arith.subi %add3A_470, %sub3A_471 : i32
      %mul3A_473 = arith.constant 128 : i32
      %mul3A_474 = arith.muli %sub3A_472, %mul3A_473 : i32
      %add3A_475 = arith.addi %mul3A_2, %mul3A_474 : i32
      %dma_wait3A_476 = arith.constant 1 : i32
      %dma_wait3A_477 = arith.constant 1 : i32
      %dma_wait3A_478 = arith.constant 0 : i32
      %dma_wait3A_479 = arith.constant 0 : i32
      %dma_wait3A_480 = tpu.memref_slice %arg9[%dma_wait3A_476, %dma_wait3A_478, %dma_wait3A_479] : memref<4x128x128xf32, #tpu.memory_space<vmem>> -> memref<1x128x128xf32, #tpu.memory_space<vmem>>
      %dma_wait3A_481 = tpu.memref_squeeze %dma_wait3A_480 : memref<1x128x128xf32, #tpu.memory_space<vmem>> -> memref<128x128xf32, #tpu.memory_space<vmem>>
      %dma_wait3A_482 = arith.constant 0 : i32
      %dma_wait3A_483 = tpu.memref_slice %arg6[%add3A_475, %dma_wait3A_482] : memref<819200x128xf32, #tpu.memory_space<hbm>> -> memref<128x128xf32, #tpu.memory_space<hbm>>
      %dma_wait3A_484 = tpu.memref_slice %arg13[%dma_wait3A_477] : memref<4x!tpu.dma_semaphore, #tpu.memory_space<semaphore_mem>> -> memref<1x!tpu.dma_semaphore, #tpu.memory_space<semaphore_mem>>
      %dma_wait3A_485 = tpu.memref_squeeze %dma_wait3A_484 : memref<1x!tpu.dma_semaphore, #tpu.memory_space<semaphore_mem>> -> memref<!tpu.dma_semaphore, #tpu.memory_space<semaphore_mem>>
      %dma_wait3A_486 = arith.constant 0 : i32
      %dma_wait3A_487 = tpu.memref_slice %arg6[%add3A_475, %dma_wait3A_486] : memref<819200x128xf32, #tpu.memory_space<hbm>> -> memref<128x128xf32, #tpu.memory_space<hbm>>
      %dma_wait3A_488 = arith.constant 0 : i32
      %dma_wait3A_489 = arith.constant 0 : i32
      %dma_wait3A_490 = tpu.memref_slice %arg9[%dma_wait3A_476, %dma_wait3A_488, %dma_wait3A_489] : memref<4x128x128xf32, #tpu.memory_space<vmem>> -> memref<1x128x128xf32, #tpu.memory_space<vmem>>
      %dma_wait3A_491 = tpu.memref_squeeze %dma_wait3A_490 : memref<1x128x128xf32, #tpu.memory_space<vmem>> -> memref<128x128xf32, #tpu.memory_space<vmem>>
      tpu.wait_dma2 semaphore(%dma_wait3A_485 : memref<!tpu.dma_semaphore, #tpu.memory_space<semaphore_mem>>) src(%dma_wait3A_491 : memref<128x128xf32, #tpu.memory_space<vmem>>) dst(%dma_wait3A_487 : memref<128x128xf32, #tpu.memory_space<hbm>>)
      %mul3A_492 = arith.constant 128 : i32
      %mul3A_493 = arith.muli %add3A_470, %mul3A_492 : i32
      %dma_start3A_494 = arith.constant 1 : i32
      %dma_start3A_495 = arith.constant 1 : i32
      %dma_start3A_496 = arith.constant 0 : i32
      %dma_start3A_497 = arith.constant 0 : i32
      %dma_start3A_498 = tpu.memref_slice %arg9[%dma_start3A_494, %dma_start3A_496, %dma_start3A_497] : memref<4x128x128xf32, #tpu.memory_space<vmem>> -> memref<1x128x128xf32, #tpu.memory_space<vmem>>
      %dma_start3A_499 = tpu.memref_squeeze %dma_start3A_498 : memref<1x128x128xf32, #tpu.memory_space<vmem>> -> memref<128x128xf32, #tpu.memory_space<vmem>>
      %dma_start3A_500 = tpu.memref_slice %arg7[%mul3A_493] : memref<25600xi32, #tpu.memory_space<vmem>> -> memref<128xi32, #tpu.memory_space<vmem>>
      %dma_start3A_501 = arith.constant 0 : i32
      %dma_start3A_502 = arith.constant 0 : i32
      %dma_start3A_503 = tpu.memref_slice %arg4[%dma_start3A_501, %dma_start3A_502] : memref<1000000x128xf32, #tpu.memory_space<hbm>> -> memref<1000000x128xf32, #tpu.memory_space<hbm>>
      %dma_start3A_504 = tpu.memref_slice %arg11[%dma_start3A_495] : memref<4x!tpu.dma_semaphore, #tpu.memory_space<semaphore_mem>> -> memref<1x!tpu.dma_semaphore, #tpu.memory_space<semaphore_mem>>
      %dma_start3A_505 = tpu.memref_squeeze %dma_start3A_504 : memref<1x!tpu.dma_semaphore, #tpu.memory_space<semaphore_mem>> -> memref<!tpu.dma_semaphore, #tpu.memory_space<semaphore_mem>>
      tpu.enqueue_indirect_dma source(%dma_start3A_503 : memref<1000000x128xf32, #tpu.memory_space<hbm>>) target(%dma_start3A_499 : memref<128x128xf32, #tpu.memory_space<vmem>>) offsets(%dma_start3A_500 : memref<128xi32, #tpu.memory_space<vmem>>) semaphore(%dma_start3A_505 : memref<!tpu.dma_semaphore, #tpu.memory_space<semaphore_mem>>)
      %sub3A_506 = arith.constant 2 : i32
      %sub3A_507 = arith.subi %add3A_470, %sub3A_506 : i32
      %mul3A_508 = arith.constant 128 : i32
      %mul3A_509 = arith.muli %sub3A_507, %mul3A_508 : i32
      %dma_wait3A_510 = arith.constant 3 : i32
      %dma_wait3A_511 = arith.constant 3 : i32
      %dma_wait3A_512 = arith.constant 0 : i32
      %dma_wait3A_513 = arith.constant 0 : i32
      %dma_wait3A_514 = tpu.memref_slice %arg9[%dma_wait3A_510, %dma_wait3A_512, %dma_wait3A_513] : memref<4x128x128xf32, #tpu.memory_space<vmem>> -> memref<1x128x128xf32, #tpu.memory_space<vmem>>
      %dma_wait3A_515 = tpu.memref_squeeze %dma_wait3A_514 : memref<1x128x128xf32, #tpu.memory_space<vmem>> -> memref<128x128xf32, #tpu.memory_space<vmem>>
      %dma_wait3A_516 = tpu.memref_slice %arg7[%mul3A_509] : memref<25600xi32, #tpu.memory_space<vmem>> -> memref<128xi32, #tpu.memory_space<vmem>>
      %dma_wait3A_517 = arith.constant 0 : i32
      %dma_wait3A_518 = arith.constant 0 : i32
      %dma_wait3A_519 = tpu.memref_slice %arg4[%dma_wait3A_517, %dma_wait3A_518] : memref<1000000x128xf32, #tpu.memory_space<hbm>> -> memref<1000000x128xf32, #tpu.memory_space<hbm>>
      %dma_wait3A_520 = tpu.memref_slice %arg11[%dma_wait3A_511] : memref<4x!tpu.dma_semaphore, #tpu.memory_space<semaphore_mem>> -> memref<1x!tpu.dma_semaphore, #tpu.memory_space<semaphore_mem>>
      %dma_wait3A_521 = tpu.memref_squeeze %dma_wait3A_520 : memref<1x!tpu.dma_semaphore, #tpu.memory_space<semaphore_mem>> -> memref<!tpu.dma_semaphore, #tpu.memory_space<semaphore_mem>>
      tpu.wait_indirect_dma semaphore(%dma_wait3A_521 : memref<!tpu.dma_semaphore, #tpu.memory_space<semaphore_mem>>) src(%dma_wait3A_519 : memref<1000000x128xf32, #tpu.memory_space<hbm>>) dst(%dma_wait3A_515 : memref<128x128xf32, #tpu.memory_space<vmem>>)
      %sub3A_522 = arith.constant 2 : i32
      %sub3A_523 = arith.subi %add3A_470, %sub3A_522 : i32
      %mul3A_524 = arith.constant 128 : i32
      %mul3A_525 = arith.muli %sub3A_523, %mul3A_524 : i32
      %dma_start3A_526 = arith.constant 3 : i32
      %dma_start3A_527 = arith.constant 3 : i32
      %dma_start3A_528 = arith.constant 0 : i32
      %dma_start3A_529 = arith.constant 0 : i32
      %dma_start3A_530 = tpu.memref_slice %arg9[%dma_start3A_526, %dma_start3A_528, %dma_start3A_529] : memref<4x128x128xf32, #tpu.memory_space<vmem>> -> memref<1x128x128xf32, #tpu.memory_space<vmem>>
      %dma_start3A_531 = tpu.memref_squeeze %dma_start3A_530 : memref<1x128x128xf32, #tpu.memory_space<vmem>> -> memref<128x128xf32, #tpu.memory_space<vmem>>
      %dma_start3A_532 = tpu.memref_slice %arg8[%mul3A_525] : memref<25600xi32, #tpu.memory_space<vmem>> -> memref<128xi32, #tpu.memory_space<vmem>>
      %dma_start3A_533 = arith.constant 0 : i32
      %dma_start3A_534 = arith.constant 0 : i32
      %dma_start3A_535 = tpu.memref_slice %arg10[%dma_start3A_533, %dma_start3A_534] : memref<1000x128xf32, #tpu.memory_space<vmem_shared>> -> memref<1000x128xf32, #tpu.memory_space<vmem_shared>>
      %dma_start3A_536 = tpu.memref_slice %arg12[%dma_start3A_527] : memref<4x!tpu.dma_semaphore, #tpu.memory_space<semaphore_mem>> -> memref<1x!tpu.dma_semaphore, #tpu.memory_space<semaphore_mem>>
      %dma_start3A_537 = tpu.memref_squeeze %dma_start3A_536 : memref<1x!tpu.dma_semaphore, #tpu.memory_space<semaphore_mem>> -> memref<!tpu.dma_semaphore, #tpu.memory_space<semaphore_mem>>
      tpu.enqueue_indirect_dma source(%dma_start3A_535 : memref<1000x128xf32, #tpu.memory_space<vmem_shared>>) target(%dma_start3A_531 : memref<128x128xf32, #tpu.memory_space<vmem>>) offsets(%dma_start3A_532 : memref<128xi32, #tpu.memory_space<vmem>>) semaphore(%dma_start3A_537 : memref<!tpu.dma_semaphore, #tpu.memory_space<semaphore_mem>>) {add = true}
      %sub3A_538 = arith.constant 3 : i32
      %sub3A_539 = arith.subi %add3A_470, %sub3A_538 : i32
      %mul3A_540 = arith.constant 128 : i32
      %mul3A_541 = arith.muli %sub3A_539, %mul3A_540 : i32
      %dma_wait3A_542 = arith.constant 2 : i32
      %dma_wait3A_543 = arith.constant 2 : i32
      %dma_wait3A_544 = arith.constant 0 : i32
      %dma_wait3A_545 = arith.constant 0 : i32
      %dma_wait3A_546 = tpu.memref_slice %arg9[%dma_wait3A_542, %dma_wait3A_544, %dma_wait3A_545] : memref<4x128x128xf32, #tpu.memory_space<vmem>> -> memref<1x128x128xf32, #tpu.memory_space<vmem>>
      %dma_wait3A_547 = tpu.memref_squeeze %dma_wait3A_546 : memref<1x128x128xf32, #tpu.memory_space<vmem>> -> memref<128x128xf32, #tpu.memory_space<vmem>>
      %dma_wait3A_548 = tpu.memref_slice %arg8[%mul3A_541] : memref<25600xi32, #tpu.memory_space<vmem>> -> memref<128xi32, #tpu.memory_space<vmem>>
      %dma_wait3A_549 = arith.constant 0 : i32
      %dma_wait3A_550 = arith.constant 0 : i32
      %dma_wait3A_551 = tpu.memref_slice %arg10[%dma_wait3A_549, %dma_wait3A_550] : memref<1000x128xf32, #tpu.memory_space<vmem_shared>> -> memref<1000x128xf32, #tpu.memory_space<vmem_shared>>
      %dma_wait3A_552 = tpu.memref_slice %arg12[%dma_wait3A_543] : memref<4x!tpu.dma_semaphore, #tpu.memory_space<semaphore_mem>> -> memref<1x!tpu.dma_semaphore, #tpu.memory_space<semaphore_mem>>
      %dma_wait3A_553 = tpu.memref_squeeze %dma_wait3A_552 : memref<1x!tpu.dma_semaphore, #tpu.memory_space<semaphore_mem>> -> memref<!tpu.dma_semaphore, #tpu.memory_space<semaphore_mem>>
      tpu.wait_indirect_dma semaphore(%dma_wait3A_553 : memref<!tpu.dma_semaphore, #tpu.memory_space<semaphore_mem>>) src(%dma_wait3A_551 : memref<1000x128xf32, #tpu.memory_space<vmem_shared>>) dst(%dma_wait3A_547 : memref<128x128xf32, #tpu.memory_space<vmem>>)
      %sub3A_554 = arith.constant 3 : i32
      %sub3A_555 = arith.subi %add3A_470, %sub3A_554 : i32
      %mul3A_556 = arith.constant 128 : i32
      %mul3A_557 = arith.muli %sub3A_555, %mul3A_556 : i32
      %add3A_558 = arith.addi %mul3A_2, %mul3A_557 : i32
      %dma_start3A_559 = arith.constant 2 : i32
      %dma_start3A_560 = arith.constant 2 : i32
      %dma_start3A_561 = arith.constant 0 : i32
      %dma_start3A_562 = arith.constant 0 : i32
      %dma_start3A_563 = tpu.memref_slice %arg9[%dma_start3A_559, %dma_start3A_561, %dma_start3A_562] : memref<4x128x128xf32, #tpu.memory_space<vmem>> -> memref<1x128x128xf32, #tpu.memory_space<vmem>>
      %dma_start3A_564 = tpu.memref_squeeze %dma_start3A_563 : memref<1x128x128xf32, #tpu.memory_space<vmem>> -> memref<128x128xf32, #tpu.memory_space<vmem>>
      %dma_start3A_565 = arith.constant 0 : i32
      %dma_start3A_566 = tpu.memref_slice %arg6[%add3A_558, %dma_start3A_565] : memref<819200x128xf32, #tpu.memory_space<hbm>> -> memref<128x128xf32, #tpu.memory_space<hbm>>
      %dma_start3A_567 = tpu.memref_slice %arg13[%dma_start3A_560] : memref<4x!tpu.dma_semaphore, #tpu.memory_space<semaphore_mem>> -> memref<1x!tpu.dma_semaphore, #tpu.memory_space<semaphore_mem>>
      %dma_start3A_568 = tpu.memref_squeeze %dma_start3A_567 : memref<1x!tpu.dma_semaphore, #tpu.memory_space<semaphore_mem>> -> memref<!tpu.dma_semaphore, #tpu.memory_space<semaphore_mem>>
      %dma_start3A_569 = arith.constant 0 : i32
      %dma_start3A_570 = tpu.memref_slice %arg6[%add3A_558, %dma_start3A_569] : memref<819200x128xf32, #tpu.memory_space<hbm>> -> memref<128x128xf32, #tpu.memory_space<hbm>>
      %dma_start3A_571 = arith.constant 0 : i32
      %dma_start3A_572 = arith.constant 0 : i32
      %dma_start3A_573 = tpu.memref_slice %arg9[%dma_start3A_559, %dma_start3A_571, %dma_start3A_572] : memref<4x128x128xf32, #tpu.memory_space<vmem>> -> memref<1x128x128xf32, #tpu.memory_space<vmem>>
      %dma_start3A_574 = tpu.memref_squeeze %dma_start3A_573 : memref<1x128x128xf32, #tpu.memory_space<vmem>> -> memref<128x128xf32, #tpu.memory_space<vmem>>
      tpu.enqueue_dma source(%dma_start3A_574 : memref<128x128xf32, #tpu.memory_space<vmem>>) target(%dma_start3A_570 : memref<128x128xf32, #tpu.memory_space<hbm>>) target_semaphore(%dma_start3A_568 : memref<!tpu.dma_semaphore, #tpu.memory_space<semaphore_mem>>)
      %add3A_575 = arith.constant 2 : i32
      %add3A_576 = arith.addi %add3A_363, %add3A_575 : i32
      %sub3A_577 = arith.constant 4 : i32
      %sub3A_578 = arith.subi %add3A_576, %sub3A_577 : i32
      %mul3A_579 = arith.constant 128 : i32
      %mul3A_580 = arith.muli %sub3A_578, %mul3A_579 : i32
      %add3A_581 = arith.addi %mul3A_2, %mul3A_580 : i32
      %dma_wait3A_582 = arith.constant 2 : i32
      %dma_wait3A_583 = arith.constant 2 : i32
      %dma_wait3A_584 = arith.constant 0 : i32
      %dma_wait3A_585 = arith.constant 0 : i32
      %dma_wait3A_586 = tpu.memref_slice %arg9[%dma_wait3A_582, %dma_wait3A_584, %dma_wait3A_585] : memref<4x128x128xf32, #tpu.memory_space<vmem>> -> memref<1x128x128xf32, #tpu.memory_space<vmem>>
      %dma_wait3A_587 = tpu.memref_squeeze %dma_wait3A_586 : memref<1x128x128xf32, #tpu.memory_space<vmem>> -> memref<128x128xf32, #tpu.memory_space<vmem>>
      %dma_wait3A_588 = arith.constant 0 : i32
      %dma_wait3A_589 = tpu.memref_slice %arg6[%add3A_581, %dma_wait3A_588] : memref<819200x128xf32, #tpu.memory_space<hbm>> -> memref<128x128xf32, #tpu.memory_space<hbm>>
      %dma_wait3A_590 = tpu.memref_slice %arg13[%dma_wait3A_583] : memref<4x!tpu.dma_semaphore, #tpu.memory_space<semaphore_mem>> -> memref<1x!tpu.dma_semaphore, #tpu.memory_space<semaphore_mem>>
      %dma_wait3A_591 = tpu.memref_squeeze %dma_wait3A_590 : memref<1x!tpu.dma_semaphore, #tpu.memory_space<semaphore_mem>> -> memref<!tpu.dma_semaphore, #tpu.memory_space<semaphore_mem>>
      %dma_wait3A_592 = arith.constant 0 : i32
      %dma_wait3A_593 = tpu.memref_slice %arg6[%add3A_581, %dma_wait3A_592] : memref<819200x128xf32, #tpu.memory_space<hbm>> -> memref<128x128xf32, #tpu.memory_space<hbm>>
      %dma_wait3A_594 = arith.constant 0 : i32
      %dma_wait3A_595 = arith.constant 0 : i32
      %dma_wait3A_596 = tpu.memref_slice %arg9[%dma_wait3A_582, %dma_wait3A_594, %dma_wait3A_595] : memref<4x128x128xf32, #tpu.memory_space<vmem>> -> memref<1x128x128xf32, #tpu.memory_space<vmem>>
      %dma_wait3A_597 = tpu.memref_squeeze %dma_wait3A_596 : memref<1x128x128xf32, #tpu.memory_space<vmem>> -> memref<128x128xf32, #tpu.memory_space<vmem>>
      tpu.wait_dma2 semaphore(%dma_wait3A_591 : memref<!tpu.dma_semaphore, #tpu.memory_space<semaphore_mem>>) src(%dma_wait3A_597 : memref<128x128xf32, #tpu.memory_space<vmem>>) dst(%dma_wait3A_593 : memref<128x128xf32, #tpu.memory_space<hbm>>)
      %mul3A_598 = arith.constant 128 : i32
      %mul3A_599 = arith.muli %add3A_576, %mul3A_598 : i32
      %dma_start3A_600 = arith.constant 2 : i32
      %dma_start3A_601 = arith.constant 2 : i32
      %dma_start3A_602 = arith.constant 0 : i32
      %dma_start3A_603 = arith.constant 0 : i32
      %dma_start3A_604 = tpu.memref_slice %arg9[%dma_start3A_600, %dma_start3A_602, %dma_start3A_603] : memref<4x128x128xf32, #tpu.memory_space<vmem>> -> memref<1x128x128xf32, #tpu.memory_space<vmem>>
      %dma_start3A_605 = tpu.memref_squeeze %dma_start3A_604 : memref<1x128x128xf32, #tpu.memory_space<vmem>> -> memref<128x128xf32, #tpu.memory_space<vmem>>
      %dma_start3A_606 = tpu.memref_slice %arg7[%mul3A_599] : memref<25600xi32, #tpu.memory_space<vmem>> -> memref<128xi32, #tpu.memory_space<vmem>>
      %dma_start3A_607 = arith.constant 0 : i32
      %dma_start3A_608 = arith.constant 0 : i32
      %dma_start3A_609 = tpu.memref_slice %arg4[%dma_start3A_607, %dma_start3A_608] : memref<1000000x128xf32, #tpu.memory_space<hbm>> -> memref<1000000x128xf32, #tpu.memory_space<hbm>>
      %dma_start3A_610 = tpu.memref_slice %arg11[%dma_start3A_601] : memref<4x!tpu.dma_semaphore, #tpu.memory_space<semaphore_mem>> -> memref<1x!tpu.dma_semaphore, #tpu.memory_space<semaphore_mem>>
      %dma_start3A_611 = tpu.memref_squeeze %dma_start3A_610 : memref<1x!tpu.dma_semaphore, #tpu.memory_space<semaphore_mem>> -> memref<!tpu.dma_semaphore, #tpu.memory_space<semaphore_mem>>
      tpu.enqueue_indirect_dma source(%dma_start3A_609 : memref<1000000x128xf32, #tpu.memory_space<hbm>>) target(%dma_start3A_605 : memref<128x128xf32, #tpu.memory_space<vmem>>) offsets(%dma_start3A_606 : memref<128xi32, #tpu.memory_space<vmem>>) semaphore(%dma_start3A_611 : memref<!tpu.dma_semaphore, #tpu.memory_space<semaphore_mem>>)
      %sub3A_612 = arith.constant 2 : i32
      %sub3A_613 = arith.subi %add3A_576, %sub3A_612 : i32
      %mul3A_614 = arith.constant 128 : i32
      %mul3A_615 = arith.muli %sub3A_613, %mul3A_614 : i32
      %dma_wait3A_616 = arith.constant 0 : i32
      %dma_wait3A_617 = arith.constant 0 : i32
      %dma_wait3A_618 = arith.constant 0 : i32
      %dma_wait3A_619 = arith.constant 0 : i32
      %dma_wait3A_620 = tpu.memref_slice %arg9[%dma_wait3A_616, %dma_wait3A_618, %dma_wait3A_619] : memref<4x128x128xf32, #tpu.memory_space<vmem>> -> memref<1x128x128xf32, #tpu.memory_space<vmem>>
      %dma_wait3A_621 = tpu.memref_squeeze %dma_wait3A_620 : memref<1x128x128xf32, #tpu.memory_space<vmem>> -> memref<128x128xf32, #tpu.memory_space<vmem>>
      %dma_wait3A_622 = tpu.memref_slice %arg7[%mul3A_615] : memref<25600xi32, #tpu.memory_space<vmem>> -> memref<128xi32, #tpu.memory_space<vmem>>
      %dma_wait3A_623 = arith.constant 0 : i32
      %dma_wait3A_624 = arith.constant 0 : i32
      %dma_wait3A_625 = tpu.memref_slice %arg4[%dma_wait3A_623, %dma_wait3A_624] : memref<1000000x128xf32, #tpu.memory_space<hbm>> -> memref<1000000x128xf32, #tpu.memory_space<hbm>>
      %dma_wait3A_626 = tpu.memref_slice %arg11[%dma_wait3A_617] : memref<4x!tpu.dma_semaphore, #tpu.memory_space<semaphore_mem>> -> memref<1x!tpu.dma_semaphore, #tpu.memory_space<semaphore_mem>>
      %dma_wait3A_627 = tpu.memref_squeeze %dma_wait3A_626 : memref<1x!tpu.dma_semaphore, #tpu.memory_space<semaphore_mem>> -> memref<!tpu.dma_semaphore, #tpu.memory_space<semaphore_mem>>
      tpu.wait_indirect_dma semaphore(%dma_wait3A_627 : memref<!tpu.dma_semaphore, #tpu.memory_space<semaphore_mem>>) src(%dma_wait3A_625 : memref<1000000x128xf32, #tpu.memory_space<hbm>>) dst(%dma_wait3A_621 : memref<128x128xf32, #tpu.memory_space<vmem>>)
      %sub3A_628 = arith.constant 2 : i32
      %sub3A_629 = arith.subi %add3A_576, %sub3A_628 : i32
      %mul3A_630 = arith.constant 128 : i32
      %mul3A_631 = arith.muli %sub3A_629, %mul3A_630 : i32
      %dma_start3A_632 = arith.constant 0 : i32
      %dma_start3A_633 = arith.constant 0 : i32
      %dma_start3A_634 = arith.constant 0 : i32
      %dma_start3A_635 = arith.constant 0 : i32
      %dma_start3A_636 = tpu.memref_slice %arg9[%dma_start3A_632, %dma_start3A_634, %dma_start3A_635] : memref<4x128x128xf32, #tpu.memory_space<vmem>> -> memref<1x128x128xf32, #tpu.memory_space<vmem>>
      %dma_start3A_637 = tpu.memref_squeeze %dma_start3A_636 : memref<1x128x128xf32, #tpu.memory_space<vmem>> -> memref<128x128xf32, #tpu.memory_space<vmem>>
      %dma_start3A_638 = tpu.memref_slice %arg8[%mul3A_631] : memref<25600xi32, #tpu.memory_space<vmem>> -> memref<128xi32, #tpu.memory_space<vmem>>
      %dma_start3A_639 = arith.constant 0 : i32
      %dma_start3A_640 = arith.constant 0 : i32
      %dma_start3A_641 = tpu.memref_slice %arg10[%dma_start3A_639, %dma_start3A_640] : memref<1000x128xf32, #tpu.memory_space<vmem_shared>> -> memref<1000x128xf32, #tpu.memory_space<vmem_shared>>
      %dma_start3A_642 = tpu.memref_slice %arg12[%dma_start3A_633] : memref<4x!tpu.dma_semaphore, #tpu.memory_space<semaphore_mem>> -> memref<1x!tpu.dma_semaphore, #tpu.memory_space<semaphore_mem>>
      %dma_start3A_643 = tpu.memref_squeeze %dma_start3A_642 : memref<1x!tpu.dma_semaphore, #tpu.memory_space<semaphore_mem>> -> memref<!tpu.dma_semaphore, #tpu.memory_space<semaphore_mem>>
      tpu.enqueue_indirect_dma source(%dma_start3A_641 : memref<1000x128xf32, #tpu.memory_space<vmem_shared>>) target(%dma_start3A_637 : memref<128x128xf32, #tpu.memory_space<vmem>>) offsets(%dma_start3A_638 : memref<128xi32, #tpu.memory_space<vmem>>) semaphore(%dma_start3A_643 : memref<!tpu.dma_semaphore, #tpu.memory_space<semaphore_mem>>) {add = true}
      %sub3A_644 = arith.constant 3 : i32
      %sub3A_645 = arith.subi %add3A_576, %sub3A_644 : i32
      %mul3A_646 = arith.constant 128 : i32
      %mul3A_647 = arith.muli %sub3A_645, %mul3A_646 : i32
      %dma_wait3A_648 = arith.constant 3 : i32
      %dma_wait3A_649 = arith.constant 3 : i32
      %dma_wait3A_650 = arith.constant 0 : i32
      %dma_wait3A_651 = arith.constant 0 : i32
      %dma_wait3A_652 = tpu.memref_slice %arg9[%dma_wait3A_648, %dma_wait3A_650, %dma_wait3A_651] : memref<4x128x128xf32, #tpu.memory_space<vmem>> -> memref<1x128x128xf32, #tpu.memory_space<vmem>>
      %dma_wait3A_653 = tpu.memref_squeeze %dma_wait3A_652 : memref<1x128x128xf32, #tpu.memory_space<vmem>> -> memref<128x128xf32, #tpu.memory_space<vmem>>
      %dma_wait3A_654 = tpu.memref_slice %arg8[%mul3A_647] : memref<25600xi32, #tpu.memory_space<vmem>> -> memref<128xi32, #tpu.memory_space<vmem>>
      %dma_wait3A_655 = arith.constant 0 : i32
      %dma_wait3A_656 = arith.constant 0 : i32
      %dma_wait3A_657 = tpu.memref_slice %arg10[%dma_wait3A_655, %dma_wait3A_656] : memref<1000x128xf32, #tpu.memory_space<vmem_shared>> -> memref<1000x128xf32, #tpu.memory_space<vmem_shared>>
      %dma_wait3A_658 = tpu.memref_slice %arg12[%dma_wait3A_649] : memref<4x!tpu.dma_semaphore, #tpu.memory_space<semaphore_mem>> -> memref<1x!tpu.dma_semaphore, #tpu.memory_space<semaphore_mem>>
      %dma_wait3A_659 = tpu.memref_squeeze %dma_wait3A_658 : memref<1x!tpu.dma_semaphore, #tpu.memory_space<semaphore_mem>> -> memref<!tpu.dma_semaphore, #tpu.memory_space<semaphore_mem>>
      tpu.wait_indirect_dma semaphore(%dma_wait3A_659 : memref<!tpu.dma_semaphore, #tpu.memory_space<semaphore_mem>>) src(%dma_wait3A_657 : memref<1000x128xf32, #tpu.memory_space<vmem_shared>>) dst(%dma_wait3A_653 : memref<128x128xf32, #tpu.memory_space<vmem>>)
      %sub3A_660 = arith.constant 3 : i32
      %sub3A_661 = arith.subi %add3A_576, %sub3A_660 : i32
      %mul3A_662 = arith.constant 128 : i32
      %mul3A_663 = arith.muli %sub3A_661, %mul3A_662 : i32
      %add3A_664 = arith.addi %mul3A_2, %mul3A_663 : i32
      %dma_start3A_665 = arith.constant 3 : i32
      %dma_start3A_666 = arith.constant 3 : i32
      %dma_start3A_667 = arith.constant 0 : i32
      %dma_start3A_668 = arith.constant 0 : i32
      %dma_start3A_669 = tpu.memref_slice %arg9[%dma_start3A_665, %dma_start3A_667, %dma_start3A_668] : memref<4x128x128xf32, #tpu.memory_space<vmem>> -> memref<1x128x128xf32, #tpu.memory_space<vmem>>
      %dma_start3A_670 = tpu.memref_squeeze %dma_start3A_669 : memref<1x128x128xf32, #tpu.memory_space<vmem>> -> memref<128x128xf32, #tpu.memory_space<vmem>>
      %dma_start3A_671 = arith.constant 0 : i32
      %dma_start3A_672 = tpu.memref_slice %arg6[%add3A_664, %dma_start3A_671] : memref<819200x128xf32, #tpu.memory_space<hbm>> -> memref<128x128xf32, #tpu.memory_space<hbm>>
      %dma_start3A_673 = tpu.memref_slice %arg13[%dma_start3A_666] : memref<4x!tpu.dma_semaphore, #tpu.memory_space<semaphore_mem>> -> memref<1x!tpu.dma_semaphore, #tpu.memory_space<semaphore_mem>>
      %dma_start3A_674 = tpu.memref_squeeze %dma_start3A_673 : memref<1x!tpu.dma_semaphore, #tpu.memory_space<semaphore_mem>> -> memref<!tpu.dma_semaphore, #tpu.memory_space<semaphore_mem>>
      %dma_start3A_675 = arith.constant 0 : i32
      %dma_start3A_676 = tpu.memref_slice %arg6[%add3A_664, %dma_start3A_675] : memref<819200x128xf32, #tpu.memory_space<hbm>> -> memref<128x128xf32, #tpu.memory_space<hbm>>
      %dma_start3A_677 = arith.constant 0 : i32
      %dma_start3A_678 = arith.constant 0 : i32
      %dma_start3A_679 = tpu.memref_slice %arg9[%dma_start3A_665, %dma_start3A_677, %dma_start3A_678] : memref<4x128x128xf32, #tpu.memory_space<vmem>> -> memref<1x128x128xf32, #tpu.memory_space<vmem>>
      %dma_start3A_680 = tpu.memref_squeeze %dma_start3A_679 : memref<1x128x128xf32, #tpu.memory_space<vmem>> -> memref<128x128xf32, #tpu.memory_space<vmem>>
      tpu.enqueue_dma source(%dma_start3A_680 : memref<128x128xf32, #tpu.memory_space<vmem>>) target(%dma_start3A_676 : memref<128x128xf32, #tpu.memory_space<hbm>>) target_semaphore(%dma_start3A_674 : memref<!tpu.dma_semaphore, #tpu.memory_space<semaphore_mem>>)
      %add3A_681 = arith.constant 3 : i32
      %add3A_682 = arith.addi %add3A_363, %add3A_681 : i32
      %sub3A_683 = arith.constant 4 : i32
      %sub3A_684 = arith.subi %add3A_682, %sub3A_683 : i32
      %mul3A_685 = arith.constant 128 : i32
      %mul3A_686 = arith.muli %sub3A_684, %mul3A_685 : i32
      %add3A_687 = arith.addi %mul3A_2, %mul3A_686 : i32
      %dma_wait3A_688 = arith.constant 3 : i32
      %dma_wait3A_689 = arith.constant 3 : i32
      %dma_wait3A_690 = arith.constant 0 : i32
      %dma_wait3A_691 = arith.constant 0 : i32
      %dma_wait3A_692 = tpu.memref_slice %arg9[%dma_wait3A_688, %dma_wait3A_690, %dma_wait3A_691] : memref<4x128x128xf32, #tpu.memory_space<vmem>> -> memref<1x128x128xf32, #tpu.memory_space<vmem>>
      %dma_wait3A_693 = tpu.memref_squeeze %dma_wait3A_692 : memref<1x128x128xf32, #tpu.memory_space<vmem>> -> memref<128x128xf32, #tpu.memory_space<vmem>>
      %dma_wait3A_694 = arith.constant 0 : i32
      %dma_wait3A_695 = tpu.memref_slice %arg6[%add3A_687, %dma_wait3A_694] : memref<819200x128xf32, #tpu.memory_space<hbm>> -> memref<128x128xf32, #tpu.memory_space<hbm>>
      %dma_wait3A_696 = tpu.memref_slice %arg13[%dma_wait3A_689] : memref<4x!tpu.dma_semaphore, #tpu.memory_space<semaphore_mem>> -> memref<1x!tpu.dma_semaphore, #tpu.memory_space<semaphore_mem>>
      %dma_wait3A_697 = tpu.memref_squeeze %dma_wait3A_696 : memref<1x!tpu.dma_semaphore, #tpu.memory_space<semaphore_mem>> -> memref<!tpu.dma_semaphore, #tpu.memory_space<semaphore_mem>>
      %dma_wait3A_698 = arith.constant 0 : i32
      %dma_wait3A_699 = tpu.memref_slice %arg6[%add3A_687, %dma_wait3A_698] : memref<819200x128xf32, #tpu.memory_space<hbm>> -> memref<128x128xf32, #tpu.memory_space<hbm>>
      %dma_wait3A_700 = arith.constant 0 : i32
      %dma_wait3A_701 = arith.constant 0 : i32
      %dma_wait3A_702 = tpu.memref_slice %arg9[%dma_wait3A_688, %dma_wait3A_700, %dma_wait3A_701] : memref<4x128x128xf32, #tpu.memory_space<vmem>> -> memref<1x128x128xf32, #tpu.memory_space<vmem>>
      %dma_wait3A_703 = tpu.memref_squeeze %dma_wait3A_702 : memref<1x128x128xf32, #tpu.memory_space<vmem>> -> memref<128x128xf32, #tpu.memory_space<vmem>>
      tpu.wait_dma2 semaphore(%dma_wait3A_697 : memref<!tpu.dma_semaphore, #tpu.memory_space<semaphore_mem>>) src(%dma_wait3A_703 : memref<128x128xf32, #tpu.memory_space<vmem>>) dst(%dma_wait3A_699 : memref<128x128xf32, #tpu.memory_space<hbm>>)
      %mul3A_704 = arith.constant 128 : i32
      %mul3A_705 = arith.muli %add3A_682, %mul3A_704 : i32
      %dma_start3A_706 = arith.constant 3 : i32
      %dma_start3A_707 = arith.constant 3 : i32
      %dma_start3A_708 = arith.constant 0 : i32
      %dma_start3A_709 = arith.constant 0 : i32
      %dma_start3A_710 = tpu.memref_slice %arg9[%dma_start3A_706, %dma_start3A_708, %dma_start3A_709] : memref<4x128x128xf32, #tpu.memory_space<vmem>> -> memref<1x128x128xf32, #tpu.memory_space<vmem>>
      %dma_start3A_711 = tpu.memref_squeeze %dma_start3A_710 : memref<1x128x128xf32, #tpu.memory_space<vmem>> -> memref<128x128xf32, #tpu.memory_space<vmem>>
      %dma_start3A_712 = tpu.memref_slice %arg7[%mul3A_705] : memref<25600xi32, #tpu.memory_space<vmem>> -> memref<128xi32, #tpu.memory_space<vmem>>
      %dma_start3A_713 = arith.constant 0 : i32
      %dma_start3A_714 = arith.constant 0 : i32
      %dma_start3A_715 = tpu.memref_slice %arg4[%dma_start3A_713, %dma_start3A_714] : memref<1000000x128xf32, #tpu.memory_space<hbm>> -> memref<1000000x128xf32, #tpu.memory_space<hbm>>
      %dma_start3A_716 = tpu.memref_slice %arg11[%dma_start3A_707] : memref<4x!tpu.dma_semaphore, #tpu.memory_space<semaphore_mem>> -> memref<1x!tpu.dma_semaphore, #tpu.memory_space<semaphore_mem>>
      %dma_start3A_717 = tpu.memref_squeeze %dma_start3A_716 : memref<1x!tpu.dma_semaphore, #tpu.memory_space<semaphore_mem>> -> memref<!tpu.dma_semaphore, #tpu.memory_space<semaphore_mem>>
      tpu.enqueue_indirect_dma source(%dma_start3A_715 : memref<1000000x128xf32, #tpu.memory_space<hbm>>) target(%dma_start3A_711 : memref<128x128xf32, #tpu.memory_space<vmem>>) offsets(%dma_start3A_712 : memref<128xi32, #tpu.memory_space<vmem>>) semaphore(%dma_start3A_717 : memref<!tpu.dma_semaphore, #tpu.memory_space<semaphore_mem>>)
      %sub3A_718 = arith.constant 2 : i32
      %sub3A_719 = arith.subi %add3A_682, %sub3A_718 : i32
      %mul3A_720 = arith.constant 128 : i32
      %mul3A_721 = arith.muli %sub3A_719, %mul3A_720 : i32
      %dma_wait3A_722 = arith.constant 1 : i32
      %dma_wait3A_723 = arith.constant 1 : i32
      %dma_wait3A_724 = arith.constant 0 : i32
      %dma_wait3A_725 = arith.constant 0 : i32
      %dma_wait3A_726 = tpu.memref_slice %arg9[%dma_wait3A_722, %dma_wait3A_724, %dma_wait3A_725] : memref<4x128x128xf32, #tpu.memory_space<vmem>> -> memref<1x128x128xf32, #tpu.memory_space<vmem>>
      %dma_wait3A_727 = tpu.memref_squeeze %dma_wait3A_726 : memref<1x128x128xf32, #tpu.memory_space<vmem>> -> memref<128x128xf32, #tpu.memory_space<vmem>>
      %dma_wait3A_728 = tpu.memref_slice %arg7[%mul3A_721] : memref<25600xi32, #tpu.memory_space<vmem>> -> memref<128xi32, #tpu.memory_space<vmem>>
      %dma_wait3A_729 = arith.constant 0 : i32
      %dma_wait3A_730 = arith.constant 0 : i32
      %dma_wait3A_731 = tpu.memref_slice %arg4[%dma_wait3A_729, %dma_wait3A_730] : memref<1000000x128xf32, #tpu.memory_space<hbm>> -> memref<1000000x128xf32, #tpu.memory_space<hbm>>
      %dma_wait3A_732 = tpu.memref_slice %arg11[%dma_wait3A_723] : memref<4x!tpu.dma_semaphore, #tpu.memory_space<semaphore_mem>> -> memref<1x!tpu.dma_semaphore, #tpu.memory_space<semaphore_mem>>
      %dma_wait3A_733 = tpu.memref_squeeze %dma_wait3A_732 : memref<1x!tpu.dma_semaphore, #tpu.memory_space<semaphore_mem>> -> memref<!tpu.dma_semaphore, #tpu.memory_space<semaphore_mem>>
      tpu.wait_indirect_dma semaphore(%dma_wait3A_733 : memref<!tpu.dma_semaphore, #tpu.memory_space<semaphore_mem>>) src(%dma_wait3A_731 : memref<1000000x128xf32, #tpu.memory_space<hbm>>) dst(%dma_wait3A_727 : memref<128x128xf32, #tpu.memory_space<vmem>>)
      %sub3A_734 = arith.constant 2 : i32
      %sub3A_735 = arith.subi %add3A_682, %sub3A_734 : i32
      %mul3A_736 = arith.constant 128 : i32
      %mul3A_737 = arith.muli %sub3A_735, %mul3A_736 : i32
      %dma_start3A_738 = arith.constant 1 : i32
      %dma_start3A_739 = arith.constant 1 : i32
      %dma_start3A_740 = arith.constant 0 : i32
      %dma_start3A_741 = arith.constant 0 : i32
      %dma_start3A_742 = tpu.memref_slice %arg9[%dma_start3A_738, %dma_start3A_740, %dma_start3A_741] : memref<4x128x128xf32, #tpu.memory_space<vmem>> -> memref<1x128x128xf32, #tpu.memory_space<vmem>>
      %dma_start3A_743 = tpu.memref_squeeze %dma_start3A_742 : memref<1x128x128xf32, #tpu.memory_space<vmem>> -> memref<128x128xf32, #tpu.memory_space<vmem>>
      %dma_start3A_744 = tpu.memref_slice %arg8[%mul3A_737] : memref<25600xi32, #tpu.memory_space<vmem>> -> memref<128xi32, #tpu.memory_space<vmem>>
      %dma_start3A_745 = arith.constant 0 : i32
      %dma_start3A_746 = arith.constant 0 : i32
      %dma_start3A_747 = tpu.memref_slice %arg10[%dma_start3A_745, %dma_start3A_746] : memref<1000x128xf32, #tpu.memory_space<vmem_shared>> -> memref<1000x128xf32, #tpu.memory_space<vmem_shared>>
      %dma_start3A_748 = tpu.memref_slice %arg12[%dma_start3A_739] : memref<4x!tpu.dma_semaphore, #tpu.memory_space<semaphore_mem>> -> memref<1x!tpu.dma_semaphore, #tpu.memory_space<semaphore_mem>>
      %dma_start3A_749 = tpu.memref_squeeze %dma_start3A_748 : memref<1x!tpu.dma_semaphore, #tpu.memory_space<semaphore_mem>> -> memref<!tpu.dma_semaphore, #tpu.memory_space<semaphore_mem>>
      tpu.enqueue_indirect_dma source(%dma_start3A_747 : memref<1000x128xf32, #tpu.memory_space<vmem_shared>>) target(%dma_start3A_743 : memref<128x128xf32, #tpu.memory_space<vmem>>) offsets(%dma_start3A_744 : memref<128xi32, #tpu.memory_space<vmem>>) semaphore(%dma_start3A_749 : memref<!tpu.dma_semaphore, #tpu.memory_space<semaphore_mem>>) {add = true}
      %sub3A_750 = arith.constant 3 : i32
      %sub3A_751 = arith.subi %add3A_682, %sub3A_750 : i32
      %mul3A_752 = arith.constant 128 : i32
      %mul3A_753 = arith.muli %sub3A_751, %mul3A_752 : i32
      %dma_wait3A_754 = arith.constant 0 : i32
      %dma_wait3A_755 = arith.constant 0 : i32
      %dma_wait3A_756 = arith.constant 0 : i32
      %dma_wait3A_757 = arith.constant 0 : i32
      %dma_wait3A_758 = tpu.memref_slice %arg9[%dma_wait3A_754, %dma_wait3A_756, %dma_wait3A_757] : memref<4x128x128xf32, #tpu.memory_space<vmem>> -> memref<1x128x128xf32, #tpu.memory_space<vmem>>
      %dma_wait3A_759 = tpu.memref_squeeze %dma_wait3A_758 : memref<1x128x128xf32, #tpu.memory_space<vmem>> -> memref<128x128xf32, #tpu.memory_space<vmem>>
      %dma_wait3A_760 = tpu.memref_slice %arg8[%mul3A_753] : memref<25600xi32, #tpu.memory_space<vmem>> -> memref<128xi32, #tpu.memory_space<vmem>>
      %dma_wait3A_761 = arith.constant 0 : i32
      %dma_wait3A_762 = arith.constant 0 : i32
      %dma_wait3A_763 = tpu.memref_slice %arg10[%dma_wait3A_761, %dma_wait3A_762] : memref<1000x128xf32, #tpu.memory_space<vmem_shared>> -> memref<1000x128xf32, #tpu.memory_space<vmem_shared>>
      %dma_wait3A_764 = tpu.memref_slice %arg12[%dma_wait3A_755] : memref<4x!tpu.dma_semaphore, #tpu.memory_space<semaphore_mem>> -> memref<1x!tpu.dma_semaphore, #tpu.memory_space<semaphore_mem>>
      %dma_wait3A_765 = tpu.memref_squeeze %dma_wait3A_764 : memref<1x!tpu.dma_semaphore, #tpu.memory_space<semaphore_mem>> -> memref<!tpu.dma_semaphore, #tpu.memory_space<semaphore_mem>>
      tpu.wait_indirect_dma semaphore(%dma_wait3A_765 : memref<!tpu.dma_semaphore, #tpu.memory_space<semaphore_mem>>) src(%dma_wait3A_763 : memref<1000x128xf32, #tpu.memory_space<vmem_shared>>) dst(%dma_wait3A_759 : memref<128x128xf32, #tpu.memory_space<vmem>>)
      %sub3A_766 = arith.constant 3 : i32
      %sub3A_767 = arith.subi %add3A_682, %sub3A_766 : i32
      %mul3A_768 = arith.constant 128 : i32
      %mul3A_769 = arith.muli %sub3A_767, %mul3A_768 : i32
      %add3A_770 = arith.addi %mul3A_2, %mul3A_769 : i32
      %dma_start3A_771 = arith.constant 0 : i32
      %dma_start3A_772 = arith.constant 0 : i32
      %dma_start3A_773 = arith.constant 0 : i32
      %dma_start3A_774 = arith.constant 0 : i32
      %dma_start3A_775 = tpu.memref_slice %arg9[%dma_start3A_771, %dma_start3A_773, %dma_start3A_774] : memref<4x128x128xf32, #tpu.memory_space<vmem>> -> memref<1x128x128xf32, #tpu.memory_space<vmem>>
      %dma_start3A_776 = tpu.memref_squeeze %dma_start3A_775 : memref<1x128x128xf32, #tpu.memory_space<vmem>> -> memref<128x128xf32, #tpu.memory_space<vmem>>
      %dma_start3A_777 = arith.constant 0 : i32
      %dma_start3A_778 = tpu.memref_slice %arg6[%add3A_770, %dma_start3A_777] : memref<819200x128xf32, #tpu.memory_space<hbm>> -> memref<128x128xf32, #tpu.memory_space<hbm>>
      %dma_start3A_779 = tpu.memref_slice %arg13[%dma_start3A_772] : memref<4x!tpu.dma_semaphore, #tpu.memory_space<semaphore_mem>> -> memref<1x!tpu.dma_semaphore, #tpu.memory_space<semaphore_mem>>
      %dma_start3A_780 = tpu.memref_squeeze %dma_start3A_779 : memref<1x!tpu.dma_semaphore, #tpu.memory_space<semaphore_mem>> -> memref<!tpu.dma_semaphore, #tpu.memory_space<semaphore_mem>>
      %dma_start3A_781 = arith.constant 0 : i32
      %dma_start3A_782 = tpu.memref_slice %arg6[%add3A_770, %dma_start3A_781] : memref<819200x128xf32, #tpu.memory_space<hbm>> -> memref<128x128xf32, #tpu.memory_space<hbm>>
      %dma_start3A_783 = arith.constant 0 : i32
      %dma_start3A_784 = arith.constant 0 : i32
      %dma_start3A_785 = tpu.memref_slice %arg9[%dma_start3A_771, %dma_start3A_783, %dma_start3A_784] : memref<4x128x128xf32, #tpu.memory_space<vmem>> -> memref<1x128x128xf32, #tpu.memory_space<vmem>>
      %dma_start3A_786 = tpu.memref_squeeze %dma_start3A_785 : memref<1x128x128xf32, #tpu.memory_space<vmem>> -> memref<128x128xf32, #tpu.memory_space<vmem>>
      tpu.enqueue_dma source(%dma_start3A_786 : memref<128x128xf32, #tpu.memory_space<vmem>>) target(%dma_start3A_782 : memref<128x128xf32, #tpu.memory_space<hbm>>) target_semaphore(%dma_start3A_780 : memref<!tpu.dma_semaphore, #tpu.memory_space<semaphore_mem>>)
    }
    %scan3A_141 = arith.constant 49 : i32
    %dma_wait3A_142 = arith.constant 2 : i32
    %dma_wait3A_143 = arith.constant 2 : i32
    %dma_wait3A_144 = arith.constant 0 : i32
    %dma_wait3A_145 = arith.constant 0 : i32
    %dma_wait3A_146 = tpu.memref_slice %arg9[%dma_wait3A_142, %dma_wait3A_144, %dma_wait3A_145] : memref<4x128x128xf32, #tpu.memory_space<vmem>> -> memref<1x128x128xf32, #tpu.memory_space<vmem>>
    %dma_wait3A_147 = tpu.memref_squeeze %dma_wait3A_146 : memref<1x128x128xf32, #tpu.memory_space<vmem>> -> memref<128x128xf32, #tpu.memory_space<vmem>>
    %dma_wait3A_148 = arith.constant 25344 : i32
    %dma_wait3A_149 = tpu.memref_slice %arg7[%dma_wait3A_148] : memref<25600xi32, #tpu.memory_space<vmem>> -> memref<128xi32, #tpu.memory_space<vmem>>
    %dma_wait3A_150 = arith.constant 0 : i32
    %dma_wait3A_151 = arith.constant 0 : i32
    %dma_wait3A_152 = tpu.memref_slice %arg4[%dma_wait3A_150, %dma_wait3A_151] : memref<1000000x128xf32, #tpu.memory_space<hbm>> -> memref<1000000x128xf32, #tpu.memory_space<hbm>>
    %dma_wait3A_153 = tpu.memref_slice %arg11[%dma_wait3A_143] : memref<4x!tpu.dma_semaphore, #tpu.memory_space<semaphore_mem>> -> memref<1x!tpu.dma_semaphore, #tpu.memory_space<semaphore_mem>>
    %dma_wait3A_154 = tpu.memref_squeeze %dma_wait3A_153 : memref<1x!tpu.dma_semaphore, #tpu.memory_space<semaphore_mem>> -> memref<!tpu.dma_semaphore, #tpu.memory_space<semaphore_mem>>
    tpu.wait_indirect_dma semaphore(%dma_wait3A_154 : memref<!tpu.dma_semaphore, #tpu.memory_space<semaphore_mem>>) src(%dma_wait3A_152 : memref<1000000x128xf32, #tpu.memory_space<hbm>>) dst(%dma_wait3A_147 : memref<128x128xf32, #tpu.memory_space<vmem>>)
    %dma_start3A_155 = arith.constant 2 : i32
    %dma_start3A_156 = arith.constant 2 : i32
    %dma_start3A_157 = arith.constant 0 : i32
    %dma_start3A_158 = arith.constant 0 : i32
    %dma_start3A_159 = tpu.memref_slice %arg9[%dma_start3A_155, %dma_start3A_157, %dma_start3A_158] : memref<4x128x128xf32, #tpu.memory_space<vmem>> -> memref<1x128x128xf32, #tpu.memory_space<vmem>>
    %dma_start3A_160 = tpu.memref_squeeze %dma_start3A_159 : memref<1x128x128xf32, #tpu.memory_space<vmem>> -> memref<128x128xf32, #tpu.memory_space<vmem>>
    %dma_start3A_161 = arith.constant 25344 : i32
    %dma_start3A_162 = tpu.memref_slice %arg8[%dma_start3A_161] : memref<25600xi32, #tpu.memory_space<vmem>> -> memref<128xi32, #tpu.memory_space<vmem>>
    %dma_start3A_163 = arith.constant 0 : i32
    %dma_start3A_164 = arith.constant 0 : i32
    %dma_start3A_165 = tpu.memref_slice %arg10[%dma_start3A_163, %dma_start3A_164] : memref<1000x128xf32, #tpu.memory_space<vmem_shared>> -> memref<1000x128xf32, #tpu.memory_space<vmem_shared>>
    %dma_start3A_166 = tpu.memref_slice %arg12[%dma_start3A_156] : memref<4x!tpu.dma_semaphore, #tpu.memory_space<semaphore_mem>> -> memref<1x!tpu.dma_semaphore, #tpu.memory_space<semaphore_mem>>
    %dma_start3A_167 = tpu.memref_squeeze %dma_start3A_166 : memref<1x!tpu.dma_semaphore, #tpu.memory_space<semaphore_mem>> -> memref<!tpu.dma_semaphore, #tpu.memory_space<semaphore_mem>>
    tpu.enqueue_indirect_dma source(%dma_start3A_165 : memref<1000x128xf32, #tpu.memory_space<vmem_shared>>) target(%dma_start3A_160 : memref<128x128xf32, #tpu.memory_space<vmem>>) offsets(%dma_start3A_162 : memref<128xi32, #tpu.memory_space<vmem>>) semaphore(%dma_start3A_167 : memref<!tpu.dma_semaphore, #tpu.memory_space<semaphore_mem>>) {add = true}
    %dma_wait3A_168 = arith.constant 1 : i32
    %dma_wait3A_169 = arith.constant 1 : i32
    %dma_wait3A_170 = arith.constant 0 : i32
    %dma_wait3A_171 = arith.constant 0 : i32
    %dma_wait3A_172 = tpu.memref_slice %arg9[%dma_wait3A_168, %dma_wait3A_170, %dma_wait3A_171] : memref<4x128x128xf32, #tpu.memory_space<vmem>> -> memref<1x128x128xf32, #tpu.memory_space<vmem>>
    %dma_wait3A_173 = tpu.memref_squeeze %dma_wait3A_172 : memref<1x128x128xf32, #tpu.memory_space<vmem>> -> memref<128x128xf32, #tpu.memory_space<vmem>>
    %dma_wait3A_174 = arith.constant 25216 : i32
    %dma_wait3A_175 = tpu.memref_slice %arg8[%dma_wait3A_174] : memref<25600xi32, #tpu.memory_space<vmem>> -> memref<128xi32, #tpu.memory_space<vmem>>
    %dma_wait3A_176 = arith.constant 0 : i32
    %dma_wait3A_177 = arith.constant 0 : i32
    %dma_wait3A_178 = tpu.memref_slice %arg10[%dma_wait3A_176, %dma_wait3A_177] : memref<1000x128xf32, #tpu.memory_space<vmem_shared>> -> memref<1000x128xf32, #tpu.memory_space<vmem_shared>>
    %dma_wait3A_179 = tpu.memref_slice %arg12[%dma_wait3A_169] : memref<4x!tpu.dma_semaphore, #tpu.memory_space<semaphore_mem>> -> memref<1x!tpu.dma_semaphore, #tpu.memory_space<semaphore_mem>>
    %dma_wait3A_180 = tpu.memref_squeeze %dma_wait3A_179 : memref<1x!tpu.dma_semaphore, #tpu.memory_space<semaphore_mem>> -> memref<!tpu.dma_semaphore, #tpu.memory_space<semaphore_mem>>
    tpu.wait_indirect_dma semaphore(%dma_wait3A_180 : memref<!tpu.dma_semaphore, #tpu.memory_space<semaphore_mem>>) src(%dma_wait3A_178 : memref<1000x128xf32, #tpu.memory_space<vmem_shared>>) dst(%dma_wait3A_173 : memref<128x128xf32, #tpu.memory_space<vmem>>)
    %add3A_181 = arith.constant 25216 : i32
    %add3A_182 = arith.addi %mul3A_2, %add3A_181 : i32
    %dma_start3A_183 = arith.constant 1 : i32
    %dma_start3A_184 = arith.constant 1 : i32
    %dma_start3A_185 = arith.constant 0 : i32
    %dma_start3A_186 = arith.constant 0 : i32
    %dma_start3A_187 = tpu.memref_slice %arg9[%dma_start3A_183, %dma_start3A_185, %dma_start3A_186] : memref<4x128x128xf32, #tpu.memory_space<vmem>> -> memref<1x128x128xf32, #tpu.memory_space<vmem>>
    %dma_start3A_188 = tpu.memref_squeeze %dma_start3A_187 : memref<1x128x128xf32, #tpu.memory_space<vmem>> -> memref<128x128xf32, #tpu.memory_space<vmem>>
    %dma_start3A_189 = arith.constant 0 : i32
    %dma_start3A_190 = tpu.memref_slice %arg6[%add3A_182, %dma_start3A_189] : memref<819200x128xf32, #tpu.memory_space<hbm>> -> memref<128x128xf32, #tpu.memory_space<hbm>>
    %dma_start3A_191 = tpu.memref_slice %arg13[%dma_start3A_184] : memref<4x!tpu.dma_semaphore, #tpu.memory_space<semaphore_mem>> -> memref<1x!tpu.dma_semaphore, #tpu.memory_space<semaphore_mem>>
    %dma_start3A_192 = tpu.memref_squeeze %dma_start3A_191 : memref<1x!tpu.dma_semaphore, #tpu.memory_space<semaphore_mem>> -> memref<!tpu.dma_semaphore, #tpu.memory_space<semaphore_mem>>
    %dma_start3A_193 = arith.constant 0 : i32
    %dma_start3A_194 = tpu.memref_slice %arg6[%add3A_182, %dma_start3A_193] : memref<819200x128xf32, #tpu.memory_space<hbm>> -> memref<128x128xf32, #tpu.memory_space<hbm>>
    %dma_start3A_195 = arith.constant 0 : i32
    %dma_start3A_196 = arith.constant 0 : i32
    %dma_start3A_197 = tpu.memref_slice %arg9[%dma_start3A_183, %dma_start3A_195, %dma_start3A_196] : memref<4x128x128xf32, #tpu.memory_space<vmem>> -> memref<1x128x128xf32, #tpu.memory_space<vmem>>
    %dma_start3A_198 = tpu.memref_squeeze %dma_start3A_197 : memref<1x128x128xf32, #tpu.memory_space<vmem>> -> memref<128x128xf32, #tpu.memory_space<vmem>>
    tpu.enqueue_dma source(%dma_start3A_198 : memref<128x128xf32, #tpu.memory_space<vmem>>) target(%dma_start3A_194 : memref<128x128xf32, #tpu.memory_space<hbm>>) target_semaphore(%dma_start3A_192 : memref<!tpu.dma_semaphore, #tpu.memory_space<semaphore_mem>>)
    %dma_wait3A_199 = arith.constant 3 : i32
    %dma_wait3A_200 = arith.constant 3 : i32
    %dma_wait3A_201 = arith.constant 0 : i32
    %dma_wait3A_202 = arith.constant 0 : i32
    %dma_wait3A_203 = tpu.memref_slice %arg9[%dma_wait3A_199, %dma_wait3A_201, %dma_wait3A_202] : memref<4x128x128xf32, #tpu.memory_space<vmem>> -> memref<1x128x128xf32, #tpu.memory_space<vmem>>
    %dma_wait3A_204 = tpu.memref_squeeze %dma_wait3A_203 : memref<1x128x128xf32, #tpu.memory_space<vmem>> -> memref<128x128xf32, #tpu.memory_space<vmem>>
    %dma_wait3A_205 = arith.constant 25472 : i32
    %dma_wait3A_206 = tpu.memref_slice %arg7[%dma_wait3A_205] : memref<25600xi32, #tpu.memory_space<vmem>> -> memref<128xi32, #tpu.memory_space<vmem>>
    %dma_wait3A_207 = arith.constant 0 : i32
    %dma_wait3A_208 = arith.constant 0 : i32
    %dma_wait3A_209 = tpu.memref_slice %arg4[%dma_wait3A_207, %dma_wait3A_208] : memref<1000000x128xf32, #tpu.memory_space<hbm>> -> memref<1000000x128xf32, #tpu.memory_space<hbm>>
    %dma_wait3A_210 = tpu.memref_slice %arg11[%dma_wait3A_200] : memref<4x!tpu.dma_semaphore, #tpu.memory_space<semaphore_mem>> -> memref<1x!tpu.dma_semaphore, #tpu.memory_space<semaphore_mem>>
    %dma_wait3A_211 = tpu.memref_squeeze %dma_wait3A_210 : memref<1x!tpu.dma_semaphore, #tpu.memory_space<semaphore_mem>> -> memref<!tpu.dma_semaphore, #tpu.memory_space<semaphore_mem>>
    tpu.wait_indirect_dma semaphore(%dma_wait3A_211 : memref<!tpu.dma_semaphore, #tpu.memory_space<semaphore_mem>>) src(%dma_wait3A_209 : memref<1000000x128xf32, #tpu.memory_space<hbm>>) dst(%dma_wait3A_204 : memref<128x128xf32, #tpu.memory_space<vmem>>)
    %dma_start3A_212 = arith.constant 3 : i32
    %dma_start3A_213 = arith.constant 3 : i32
    %dma_start3A_214 = arith.constant 0 : i32
    %dma_start3A_215 = arith.constant 0 : i32
    %dma_start3A_216 = tpu.memref_slice %arg9[%dma_start3A_212, %dma_start3A_214, %dma_start3A_215] : memref<4x128x128xf32, #tpu.memory_space<vmem>> -> memref<1x128x128xf32, #tpu.memory_space<vmem>>
    %dma_start3A_217 = tpu.memref_squeeze %dma_start3A_216 : memref<1x128x128xf32, #tpu.memory_space<vmem>> -> memref<128x128xf32, #tpu.memory_space<vmem>>
    %dma_start3A_218 = arith.constant 25472 : i32
    %dma_start3A_219 = tpu.memref_slice %arg8[%dma_start3A_218] : memref<25600xi32, #tpu.memory_space<vmem>> -> memref<128xi32, #tpu.memory_space<vmem>>
    %dma_start3A_220 = arith.constant 0 : i32
    %dma_start3A_221 = arith.constant 0 : i32
    %dma_start3A_222 = tpu.memref_slice %arg10[%dma_start3A_220, %dma_start3A_221] : memref<1000x128xf32, #tpu.memory_space<vmem_shared>> -> memref<1000x128xf32, #tpu.memory_space<vmem_shared>>
    %dma_start3A_223 = tpu.memref_slice %arg12[%dma_start3A_213] : memref<4x!tpu.dma_semaphore, #tpu.memory_space<semaphore_mem>> -> memref<1x!tpu.dma_semaphore, #tpu.memory_space<semaphore_mem>>
    %dma_start3A_224 = tpu.memref_squeeze %dma_start3A_223 : memref<1x!tpu.dma_semaphore, #tpu.memory_space<semaphore_mem>> -> memref<!tpu.dma_semaphore, #tpu.memory_space<semaphore_mem>>
    tpu.enqueue_indirect_dma source(%dma_start3A_222 : memref<1000x128xf32, #tpu.memory_space<vmem_shared>>) target(%dma_start3A_217 : memref<128x128xf32, #tpu.memory_space<vmem>>) offsets(%dma_start3A_219 : memref<128xi32, #tpu.memory_space<vmem>>) semaphore(%dma_start3A_224 : memref<!tpu.dma_semaphore, #tpu.memory_space<semaphore_mem>>) {add = true}
    %dma_wait3A_225 = arith.constant 2 : i32
    %dma_wait3A_226 = arith.constant 2 : i32
    %dma_wait3A_227 = arith.constant 0 : i32
    %dma_wait3A_228 = arith.constant 0 : i32
    %dma_wait3A_229 = tpu.memref_slice %arg9[%dma_wait3A_225, %dma_wait3A_227, %dma_wait3A_228] : memref<4x128x128xf32, #tpu.memory_space<vmem>> -> memref<1x128x128xf32, #tpu.memory_space<vmem>>
    %dma_wait3A_230 = tpu.memref_squeeze %dma_wait3A_229 : memref<1x128x128xf32, #tpu.memory_space<vmem>> -> memref<128x128xf32, #tpu.memory_space<vmem>>
    %dma_wait3A_231 = arith.constant 25344 : i32
    %dma_wait3A_232 = tpu.memref_slice %arg8[%dma_wait3A_231] : memref<25600xi32, #tpu.memory_space<vmem>> -> memref<128xi32, #tpu.memory_space<vmem>>
    %dma_wait3A_233 = arith.constant 0 : i32
    %dma_wait3A_234 = arith.constant 0 : i32
    %dma_wait3A_235 = tpu.memref_slice %arg10[%dma_wait3A_233, %dma_wait3A_234] : memref<1000x128xf32, #tpu.memory_space<vmem_shared>> -> memref<1000x128xf32, #tpu.memory_space<vmem_shared>>
    %dma_wait3A_236 = tpu.memref_slice %arg12[%dma_wait3A_226] : memref<4x!tpu.dma_semaphore, #tpu.memory_space<semaphore_mem>> -> memref<1x!tpu.dma_semaphore, #tpu.memory_space<semaphore_mem>>
    %dma_wait3A_237 = tpu.memref_squeeze %dma_wait3A_236 : memref<1x!tpu.dma_semaphore, #tpu.memory_space<semaphore_mem>> -> memref<!tpu.dma_semaphore, #tpu.memory_space<semaphore_mem>>
    tpu.wait_indirect_dma semaphore(%dma_wait3A_237 : memref<!tpu.dma_semaphore, #tpu.memory_space<semaphore_mem>>) src(%dma_wait3A_235 : memref<1000x128xf32, #tpu.memory_space<vmem_shared>>) dst(%dma_wait3A_230 : memref<128x128xf32, #tpu.memory_space<vmem>>)
    %add3A_238 = arith.constant 25344 : i32
    %add3A_239 = arith.addi %mul3A_2, %add3A_238 : i32
    %dma_start3A_240 = arith.constant 2 : i32
    %dma_start3A_241 = arith.constant 2 : i32
    %dma_start3A_242 = arith.constant 0 : i32
    %dma_start3A_243 = arith.constant 0 : i32
    %dma_start3A_244 = tpu.memref_slice %arg9[%dma_start3A_240, %dma_start3A_242, %dma_start3A_243] : memref<4x128x128xf32, #tpu.memory_space<vmem>> -> memref<1x128x128xf32, #tpu.memory_space<vmem>>
    %dma_start3A_245 = tpu.memref_squeeze %dma_start3A_244 : memref<1x128x128xf32, #tpu.memory_space<vmem>> -> memref<128x128xf32, #tpu.memory_space<vmem>>
    %dma_start3A_246 = arith.constant 0 : i32
    %dma_start3A_247 = tpu.memref_slice %arg6[%add3A_239, %dma_start3A_246] : memref<819200x128xf32, #tpu.memory_space<hbm>> -> memref<128x128xf32, #tpu.memory_space<hbm>>
    %dma_start3A_248 = tpu.memref_slice %arg13[%dma_start3A_241] : memref<4x!tpu.dma_semaphore, #tpu.memory_space<semaphore_mem>> -> memref<1x!tpu.dma_semaphore, #tpu.memory_space<semaphore_mem>>
    %dma_start3A_249 = tpu.memref_squeeze %dma_start3A_248 : memref<1x!tpu.dma_semaphore, #tpu.memory_space<semaphore_mem>> -> memref<!tpu.dma_semaphore, #tpu.memory_space<semaphore_mem>>
    %dma_start3A_250 = arith.constant 0 : i32
    %dma_start3A_251 = tpu.memref_slice %arg6[%add3A_239, %dma_start3A_250] : memref<819200x128xf32, #tpu.memory_space<hbm>> -> memref<128x128xf32, #tpu.memory_space<hbm>>
    %dma_start3A_252 = arith.constant 0 : i32
    %dma_start3A_253 = arith.constant 0 : i32
    %dma_start3A_254 = tpu.memref_slice %arg9[%dma_start3A_240, %dma_start3A_252, %dma_start3A_253] : memref<4x128x128xf32, #tpu.memory_space<vmem>> -> memref<1x128x128xf32, #tpu.memory_space<vmem>>
    %dma_start3A_255 = tpu.memref_squeeze %dma_start3A_254 : memref<1x128x128xf32, #tpu.memory_space<vmem>> -> memref<128x128xf32, #tpu.memory_space<vmem>>
    tpu.enqueue_dma source(%dma_start3A_255 : memref<128x128xf32, #tpu.memory_space<vmem>>) target(%dma_start3A_251 : memref<128x128xf32, #tpu.memory_space<hbm>>) target_semaphore(%dma_start3A_249 : memref<!tpu.dma_semaphore, #tpu.memory_space<semaphore_mem>>)
    %dma_wait3A_256 = arith.constant 3 : i32
    %dma_wait3A_257 = arith.constant 3 : i32
    %dma_wait3A_258 = arith.constant 0 : i32
    %dma_wait3A_259 = arith.constant 0 : i32
    %dma_wait3A_260 = tpu.memref_slice %arg9[%dma_wait3A_256, %dma_wait3A_258, %dma_wait3A_259] : memref<4x128x128xf32, #tpu.memory_space<vmem>> -> memref<1x128x128xf32, #tpu.memory_space<vmem>>
    %dma_wait3A_261 = tpu.memref_squeeze %dma_wait3A_260 : memref<1x128x128xf32, #tpu.memory_space<vmem>> -> memref<128x128xf32, #tpu.memory_space<vmem>>
    %dma_wait3A_262 = arith.constant 25472 : i32
    %dma_wait3A_263 = tpu.memref_slice %arg8[%dma_wait3A_262] : memref<25600xi32, #tpu.memory_space<vmem>> -> memref<128xi32, #tpu.memory_space<vmem>>
    %dma_wait3A_264 = arith.constant 0 : i32
    %dma_wait3A_265 = arith.constant 0 : i32
    %dma_wait3A_266 = tpu.memref_slice %arg10[%dma_wait3A_264, %dma_wait3A_265] : memref<1000x128xf32, #tpu.memory_space<vmem_shared>> -> memref<1000x128xf32, #tpu.memory_space<vmem_shared>>
    %dma_wait3A_267 = tpu.memref_slice %arg12[%dma_wait3A_257] : memref<4x!tpu.dma_semaphore, #tpu.memory_space<semaphore_mem>> -> memref<1x!tpu.dma_semaphore, #tpu.memory_space<semaphore_mem>>
    %dma_wait3A_268 = tpu.memref_squeeze %dma_wait3A_267 : memref<1x!tpu.dma_semaphore, #tpu.memory_space<semaphore_mem>> -> memref<!tpu.dma_semaphore, #tpu.memory_space<semaphore_mem>>
    tpu.wait_indirect_dma semaphore(%dma_wait3A_268 : memref<!tpu.dma_semaphore, #tpu.memory_space<semaphore_mem>>) src(%dma_wait3A_266 : memref<1000x128xf32, #tpu.memory_space<vmem_shared>>) dst(%dma_wait3A_261 : memref<128x128xf32, #tpu.memory_space<vmem>>)
    %add3A_269 = arith.constant 25472 : i32
    %add3A_270 = arith.addi %mul3A_2, %add3A_269 : i32
    %dma_start3A_271 = arith.constant 3 : i32
    %dma_start3A_272 = arith.constant 3 : i32
    %dma_start3A_273 = arith.constant 0 : i32
    %dma_start3A_274 = arith.constant 0 : i32
    %dma_start3A_275 = tpu.memref_slice %arg9[%dma_start3A_271, %dma_start3A_273, %dma_start3A_274] : memref<4x128x128xf32, #tpu.memory_space<vmem>> -> memref<1x128x128xf32, #tpu.memory_space<vmem>>
    %dma_start3A_276 = tpu.memref_squeeze %dma_start3A_275 : memref<1x128x128xf32, #tpu.memory_space<vmem>> -> memref<128x128xf32, #tpu.memory_space<vmem>>
    %dma_start3A_277 = arith.constant 0 : i32
    %dma_start3A_278 = tpu.memref_slice %arg6[%add3A_270, %dma_start3A_277] : memref<819200x128xf32, #tpu.memory_space<hbm>> -> memref<128x128xf32, #tpu.memory_space<hbm>>
    %dma_start3A_279 = tpu.memref_slice %arg13[%dma_start3A_272] : memref<4x!tpu.dma_semaphore, #tpu.memory_space<semaphore_mem>> -> memref<1x!tpu.dma_semaphore, #tpu.memory_space<semaphore_mem>>
    %dma_start3A_280 = tpu.memref_squeeze %dma_start3A_279 : memref<1x!tpu.dma_semaphore, #tpu.memory_space<semaphore_mem>> -> memref<!tpu.dma_semaphore, #tpu.memory_space<semaphore_mem>>
    %dma_start3A_281 = arith.constant 0 : i32
    %dma_start3A_282 = tpu.memref_slice %arg6[%add3A_270, %dma_start3A_281] : memref<819200x128xf32, #tpu.memory_space<hbm>> -> memref<128x128xf32, #tpu.memory_space<hbm>>
    %dma_start3A_283 = arith.constant 0 : i32
    %dma_start3A_284 = arith.constant 0 : i32
    %dma_start3A_285 = tpu.memref_slice %arg9[%dma_start3A_271, %dma_start3A_283, %dma_start3A_284] : memref<4x128x128xf32, #tpu.memory_space<vmem>> -> memref<1x128x128xf32, #tpu.memory_space<vmem>>
    %dma_start3A_286 = tpu.memref_squeeze %dma_start3A_285 : memref<1x128x128xf32, #tpu.memory_space<vmem>> -> memref<128x128xf32, #tpu.memory_space<vmem>>
    tpu.enqueue_dma source(%dma_start3A_286 : memref<128x128xf32, #tpu.memory_space<vmem>>) target(%dma_start3A_282 : memref<128x128xf32, #tpu.memory_space<hbm>>) target_semaphore(%dma_start3A_280 : memref<!tpu.dma_semaphore, #tpu.memory_space<semaphore_mem>>)
    %add3A_287 = arith.constant 25088 : i32
    %add3A_288 = arith.addi %mul3A_2, %add3A_287 : i32
    %dma_wait3A_289 = arith.constant 0 : i32
    %dma_wait3A_290 = arith.constant 0 : i32
    %dma_wait3A_291 = arith.constant 0 : i32
    %dma_wait3A_292 = arith.constant 0 : i32
    %dma_wait3A_293 = tpu.memref_slice %arg9[%dma_wait3A_289, %dma_wait3A_291, %dma_wait3A_292] : memref<4x128x128xf32, #tpu.memory_space<vmem>> -> memref<1x128x128xf32, #tpu.memory_space<vmem>>
    %dma_wait3A_294 = tpu.memref_squeeze %dma_wait3A_293 : memref<1x128x128xf32, #tpu.memory_space<vmem>> -> memref<128x128xf32, #tpu.memory_space<vmem>>
    %dma_wait3A_295 = arith.constant 0 : i32
    %dma_wait3A_296 = tpu.memref_slice %arg6[%add3A_288, %dma_wait3A_295] : memref<819200x128xf32, #tpu.memory_space<hbm>> -> memref<128x128xf32, #tpu.memory_space<hbm>>
    %dma_wait3A_297 = tpu.memref_slice %arg13[%dma_wait3A_290] : memref<4x!tpu.dma_semaphore, #tpu.memory_space<semaphore_mem>> -> memref<1x!tpu.dma_semaphore, #tpu.memory_space<semaphore_mem>>
    %dma_wait3A_298 = tpu.memref_squeeze %dma_wait3A_297 : memref<1x!tpu.dma_semaphore, #tpu.memory_space<semaphore_mem>> -> memref<!tpu.dma_semaphore, #tpu.memory_space<semaphore_mem>>
    %dma_wait3A_299 = arith.constant 0 : i32
    %dma_wait3A_300 = tpu.memref_slice %arg6[%add3A_288, %dma_wait3A_299] : memref<819200x128xf32, #tpu.memory_space<hbm>> -> memref<128x128xf32, #tpu.memory_space<hbm>>
    %dma_wait3A_301 = arith.constant 0 : i32
    %dma_wait3A_302 = arith.constant 0 : i32
    %dma_wait3A_303 = tpu.memref_slice %arg9[%dma_wait3A_289, %dma_wait3A_301, %dma_wait3A_302] : memref<4x128x128xf32, #tpu.memory_space<vmem>> -> memref<1x128x128xf32, #tpu.memory_space<vmem>>
    %dma_wait3A_304 = tpu.memref_squeeze %dma_wait3A_303 : memref<1x128x128xf32, #tpu.memory_space<vmem>> -> memref<128x128xf32, #tpu.memory_space<vmem>>
    tpu.wait_dma2 semaphore(%dma_wait3A_298 : memref<!tpu.dma_semaphore, #tpu.memory_space<semaphore_mem>>) src(%dma_wait3A_304 : memref<128x128xf32, #tpu.memory_space<vmem>>) dst(%dma_wait3A_300 : memref<128x128xf32, #tpu.memory_space<hbm>>)
    %add3A_305 = arith.constant 25216 : i32
    %add3A_306 = arith.addi %mul3A_2, %add3A_305 : i32
    %dma_wait3A_307 = arith.constant 1 : i32
    %dma_wait3A_308 = arith.constant 1 : i32
    %dma_wait3A_309 = arith.constant 0 : i32
    %dma_wait3A_310 = arith.constant 0 : i32
    %dma_wait3A_311 = tpu.memref_slice %arg9[%dma_wait3A_307, %dma_wait3A_309, %dma_wait3A_310] : memref<4x128x128xf32, #tpu.memory_space<vmem>> -> memref<1x128x128xf32, #tpu.memory_space<vmem>>
    %dma_wait3A_312 = tpu.memref_squeeze %dma_wait3A_311 : memref<1x128x128xf32, #tpu.memory_space<vmem>> -> memref<128x128xf32, #tpu.memory_space<vmem>>
    %dma_wait3A_313 = arith.constant 0 : i32
    %dma_wait3A_314 = tpu.memref_slice %arg6[%add3A_306, %dma_wait3A_313] : memref<819200x128xf32, #tpu.memory_space<hbm>> -> memref<128x128xf32, #tpu.memory_space<hbm>>
    %dma_wait3A_315 = tpu.memref_slice %arg13[%dma_wait3A_308] : memref<4x!tpu.dma_semaphore, #tpu.memory_space<semaphore_mem>> -> memref<1x!tpu.dma_semaphore, #tpu.memory_space<semaphore_mem>>
    %dma_wait3A_316 = tpu.memref_squeeze %dma_wait3A_315 : memref<1x!tpu.dma_semaphore, #tpu.memory_space<semaphore_mem>> -> memref<!tpu.dma_semaphore, #tpu.memory_space<semaphore_mem>>
    %dma_wait3A_317 = arith.constant 0 : i32
    %dma_wait3A_318 = tpu.memref_slice %arg6[%add3A_306, %dma_wait3A_317] : memref<819200x128xf32, #tpu.memory_space<hbm>> -> memref<128x128xf32, #tpu.memory_space<hbm>>
    %dma_wait3A_319 = arith.constant 0 : i32
    %dma_wait3A_320 = arith.constant 0 : i32
    %dma_wait3A_321 = tpu.memref_slice %arg9[%dma_wait3A_307, %dma_wait3A_319, %dma_wait3A_320] : memref<4x128x128xf32, #tpu.memory_space<vmem>> -> memref<1x128x128xf32, #tpu.memory_space<vmem>>
    %dma_wait3A_322 = tpu.memref_squeeze %dma_wait3A_321 : memref<1x128x128xf32, #tpu.memory_space<vmem>> -> memref<128x128xf32, #tpu.memory_space<vmem>>
    tpu.wait_dma2 semaphore(%dma_wait3A_316 : memref<!tpu.dma_semaphore, #tpu.memory_space<semaphore_mem>>) src(%dma_wait3A_322 : memref<128x128xf32, #tpu.memory_space<vmem>>) dst(%dma_wait3A_318 : memref<128x128xf32, #tpu.memory_space<hbm>>)
    %add3A_323 = arith.constant 25344 : i32
    %add3A_324 = arith.addi %mul3A_2, %add3A_323 : i32
    %dma_wait3A_325 = arith.constant 2 : i32
    %dma_wait3A_326 = arith.constant 2 : i32
    %dma_wait3A_327 = arith.constant 0 : i32
    %dma_wait3A_328 = arith.constant 0 : i32
    %dma_wait3A_329 = tpu.memref_slice %arg9[%dma_wait3A_325, %dma_wait3A_327, %dma_wait3A_328] : memref<4x128x128xf32, #tpu.memory_space<vmem>> -> memref<1x128x128xf32, #tpu.memory_space<vmem>>
    %dma_wait3A_330 = tpu.memref_squeeze %dma_wait3A_329 : memref<1x128x128xf32, #tpu.memory_space<vmem>> -> memref<128x128xf32, #tpu.memory_space<vmem>>
    %dma_wait3A_331 = arith.constant 0 : i32
    %dma_wait3A_332 = tpu.memref_slice %arg6[%add3A_324, %dma_wait3A_331] : memref<819200x128xf32, #tpu.memory_space<hbm>> -> memref<128x128xf32, #tpu.memory_space<hbm>>
    %dma_wait3A_333 = tpu.memref_slice %arg13[%dma_wait3A_326] : memref<4x!tpu.dma_semaphore, #tpu.memory_space<semaphore_mem>> -> memref<1x!tpu.dma_semaphore, #tpu.memory_space<semaphore_mem>>
    %dma_wait3A_334 = tpu.memref_squeeze %dma_wait3A_333 : memref<1x!tpu.dma_semaphore, #tpu.memory_space<semaphore_mem>> -> memref<!tpu.dma_semaphore, #tpu.memory_space<semaphore_mem>>
    %dma_wait3A_335 = arith.constant 0 : i32
    %dma_wait3A_336 = tpu.memref_slice %arg6[%add3A_324, %dma_wait3A_335] : memref<819200x128xf32, #tpu.memory_space<hbm>> -> memref<128x128xf32, #tpu.memory_space<hbm>>
    %dma_wait3A_337 = arith.constant 0 : i32
    %dma_wait3A_338 = arith.constant 0 : i32
    %dma_wait3A_339 = tpu.memref_slice %arg9[%dma_wait3A_325, %dma_wait3A_337, %dma_wait3A_338] : memref<4x128x128xf32, #tpu.memory_space<vmem>> -> memref<1x128x128xf32, #tpu.memory_space<vmem>>
    %dma_wait3A_340 = tpu.memref_squeeze %dma_wait3A_339 : memref<1x128x128xf32, #tpu.memory_space<vmem>> -> memref<128x128xf32, #tpu.memory_space<vmem>>
    tpu.wait_dma2 semaphore(%dma_wait3A_334 : memref<!tpu.dma_semaphore, #tpu.memory_space<semaphore_mem>>) src(%dma_wait3A_340 : memref<128x128xf32, #tpu.memory_space<vmem>>) dst(%dma_wait3A_336 : memref<128x128xf32, #tpu.memory_space<hbm>>)
    %add3A_341 = arith.constant 25472 : i32
    %add3A_342 = arith.addi %mul3A_2, %add3A_341 : i32
    %dma_wait3A_343 = arith.constant 3 : i32
    %dma_wait3A_344 = arith.constant 3 : i32
    %dma_wait3A_345 = arith.constant 0 : i32
    %dma_wait3A_346 = arith.constant 0 : i32
    %dma_wait3A_347 = tpu.memref_slice %arg9[%dma_wait3A_343, %dma_wait3A_345, %dma_wait3A_346] : memref<4x128x128xf32, #tpu.memory_space<vmem>> -> memref<1x128x128xf32, #tpu.memory_space<vmem>>
    %dma_wait3A_348 = tpu.memref_squeeze %dma_wait3A_347 : memref<1x128x128xf32, #tpu.memory_space<vmem>> -> memref<128x128xf32, #tpu.memory_space<vmem>>
    %dma_wait3A_349 = arith.constant 0 : i32
    %dma_wait3A_350 = tpu.memref_slice %arg6[%add3A_342, %dma_wait3A_349] : memref<819200x128xf32, #tpu.memory_space<hbm>> -> memref<128x128xf32, #tpu.memory_space<hbm>>
    %dma_wait3A_351 = tpu.memref_slice %arg13[%dma_wait3A_344] : memref<4x!tpu.dma_semaphore, #tpu.memory_space<semaphore_mem>> -> memref<1x!tpu.dma_semaphore, #tpu.memory_space<semaphore_mem>>
    %dma_wait3A_352 = tpu.memref_squeeze %dma_wait3A_351 : memref<1x!tpu.dma_semaphore, #tpu.memory_space<semaphore_mem>> -> memref<!tpu.dma_semaphore, #tpu.memory_space<semaphore_mem>>
    %dma_wait3A_353 = arith.constant 0 : i32
    %dma_wait3A_354 = tpu.memref_slice %arg6[%add3A_342, %dma_wait3A_353] : memref<819200x128xf32, #tpu.memory_space<hbm>> -> memref<128x128xf32, #tpu.memory_space<hbm>>
    %dma_wait3A_355 = arith.constant 0 : i32
    %dma_wait3A_356 = arith.constant 0 : i32
    %dma_wait3A_357 = tpu.memref_slice %arg9[%dma_wait3A_343, %dma_wait3A_355, %dma_wait3A_356] : memref<4x128x128xf32, #tpu.memory_space<vmem>> -> memref<1x128x128xf32, #tpu.memory_space<vmem>>
    %dma_wait3A_358 = tpu.memref_squeeze %dma_wait3A_357 : memref<1x128x128xf32, #tpu.memory_space<vmem>> -> memref<128x128xf32, #tpu.memory_space<vmem>>
    tpu.wait_dma2 semaphore(%dma_wait3A_352 : memref<!tpu.dma_semaphore, #tpu.memory_space<semaphore_mem>>) src(%dma_wait3A_358 : memref<128x128xf32, #tpu.memory_space<vmem>>) dst(%dma_wait3A_354 : memref<128x128xf32, #tpu.memory_space<hbm>>)
    return
  }
}

</mosaic_0001>

<sc_bundles>
// kernel: kernel.3.cloned.1.call-start
scs
__scs_entry_jumppad:
0x0: {  	(pc) =	sbr.rel $0x88, $3  }
0x1: {  	(tag) =	ssettag $0x0;
	lr =	simm.s32 $0x1  }
0x2: {  	[smem:$0x3F9D] =	sst lr;
	_ =	strace $0xD0000000  }
0x3: {  	_ = 	snop  }
0x4: {  	_ = 	snop  }
0x5: {  	_ = 	snop  }
0x6: {  	_ = 	snop  }
0x7: {  	_ = 	snop  }
__scs_overlays_trampoline_lowered:
0x8: {  	[smem:$0x3FAC] =	sst s0  }
0x9: {  	[smem:$0x3FAD] =	sst s1  }
0xa: {  	[smem:$0x3FAE] =	sst s2  }
0xb: {  	[smem:$0x3FAF] =	sst s3  }
0xc: {  	[smem:$0x3FB0] =	sst s4  }
0xd: {  	[smem:$0x3FB1] =	sst s5  }
0xe: {  	[smem:$0x3FB2] =	sst s6  }
0xf: {  	[smem:$0x3FB3] =	sst s7  }
0x10: {  	[smem:$0x3FB4] =	sst s8  }
0x11: {  	[smem:$0x3FB5] =	sst s9;
	s0 =	simm.s32 @!p0 $0x0  }
0x12: {  	s1 =	sld [smem:$0x3F9B];
	s0 =	simm.s32 @p0 $0x1  }
0x13: {  	[smem:$0x3FB6] =	sst s0;
	s0 =	simm.s32 @!p1 $0x0  }
0x14: {  	s2 =	sld [smem:$0x3F9A];
	s0 =	simm.s32 @p1 $0x1  }
0x15: {  	[smem:$0x3FB7] =	sst s0;
	s0 =	simm.s32 @!p2 $0x0  }
0x16: {  	s3 =	sld [smem:$0x3FDB];
	s0 =	simm.s32 @p2 $0x1  }
0x17: {  	s4 =	simm.s32 $0x1BF5;
	[smem:$0x3FB9] =	sst s0  }
0x18: {  	s0 =	sld [smem:$0x3F9C];
	_ =	swait.ge [sflag:s4], $0x0  }
0x19: {  	s7 =	sld [smem:$0x3F9D]  }
0x1a: {  	s8 =	sadd.s32 $0xFFFFE003, lr  }
0x1b: {  	s9 =	sadd.s32 $0xFFFFFEF7, lr;
	s5 =	simm.s32 $0xFFFFFFFF;
	p2 =	slt.u32 s8, $0xFFFFF086  }
0x1c: {  	p1 =	slt.u32 s9, $0xF7A;
	s5 =	simm.s32 @!p2 $0x0  }
0x1d: {  	s5 =	simm.s32 @p1 $0x1;
	p0 =	seq.s32 s7, s2  }
0x1e: {  	s7 =	smul.u32 @!p0 $0xF7A, s2;
	p2 =	seq.s32 @!p0 s5, $0x0  }
0x1f: {  	s9 =	smul.u32 $0xF7A, s1;
	s8 =	simm.s32 @!p0 $0x1BF5;
	p2 =	por !p2, p0  }
0x20: {  	[sflag:s8] =	ssyncset.s32 @!p0 $0xFFFFF086;
	s6 =	sadd.s32 @!p0 s3, s7;
	s7 =	simm.s32 @!p0 $0x108  }
0x21: {  	s3 =	sadd.s32 s3, s9;
	s6 =	sadd.s32 @!p0 $0x88, s6;
	s7 =	simm.s32 @p2 $0x1082  }
0x22: {  	[simem:s7], [sflag:s8] =	dma.local @!p0 [hbm:s6], $0xF7A  }
0x23: {  	s9 =	sor.u32 $0xD0000000, s2;
	s6 =	simm.s32 $0x108;
	_ =	swait.ge @!p0 [sflag:s8], $0x0  }
0x24: {  	s3 =	sadd.s32 $0x88, s3;
	s6 =	simm.s32 @!p1 $0x1082;
	[sflag:s4] =	ssyncset.s32 $0xFFFFF086  }
0x25: {  	[simem:s6], [sflag:s4] =	dma.local [hbm:s3], $0xF7A  }
0x26: {  	[smem:$0x3F9D] =	sst s1;
	(tag) =	ssettag s2;
	_ =	strace s9  }
0x27: {  	s1 =	sld [smem:$0x3FAD]  }
0x28: {  	s2 =	sld [smem:$0x3FAE]  }
0x29: {  	s4 =	sld [smem:$0x3FB0]  }
0x2a: {  	p0 =	seq.s32 s5, $0x0;
	s5 =	sld [smem:$0x3FB1]  }
0x2b: {  	s6 =	sld [smem:$0x3FB2]  }
0x2c: {  	s7 =	sld [smem:$0x3FB3]  }
0x2d: {  	s3 =	simm.s32 $0x108;
	s8 =	sld [smem:$0x3FB4]  }
0x2e: {  	s3 =	simm.s32 @!p0 $0x1082;
	s9 =	sld [smem:$0x3FB5]  }
0x2f: {  	lr =	sadd.s32 s0, s3;
	s0 =	sld [smem:$0x3FAC]  }
0x30: {  	s3 =	sld [smem:$0x3FAF]  }
0x31: {  	[smem:$0x3FB8] =	sst s10  }
0x32: {  	s10 =	sld [smem:$0x3FB6];
	_ =	sdelay $0x3  }
0x33: {  	p0 =	seq.s32 s10, $0x1;
	s10 =	sld [smem:$0x3FB8];
	_ =	sdelay $0x3  }
0x34: {  	[smem:$0x3FB8] =	sst s10  }
0x35: {  	s10 =	sld [smem:$0x3FB7];
	_ =	sdelay $0x3  }
0x36: {  	p1 =	seq.s32 s10, $0x1;
	s10 =	sld [smem:$0x3FB8];
	_ =	sdelay $0x3  }
0x37: {  	[smem:$0x3FB8] =	sst s10  }
0x38: {  	s10 =	sld [smem:$0x3FB9]  }
0x39: {  	_ = 	snop;
	(pc) =	sbr.ind lr, $3  }
0x3a: {  	_ = 	snop  }
0x3b: {  	_ = 	snop  }
0x3c: {  	p2 =	seq.s32 s10, $0x1;
	s10 =	sld [smem:$0x3FB8]  }
0x3d: {  	_ =	shalt  }
0x3e: {  	_ =	shalt  }
0x3f: {  	_ =	shalt  }
0x40: {  	_ =	shalt  }
0x41: {  	_ =	shalt  }
0x42: {  	_ =	shalt  }
0x43: {  	_ =	shalt  }
0x44: {  	_ =	shalt  }
0x45: {  	_ =	shalt  }
0x46: {  	_ =	shalt  }
0x47: {  	_ =	shalt  }
0x48: {  	_ =	shalt  }
0x49: {  	_ =	shalt  }
0x4a: {  	_ =	shalt  }
0x4b: {  	_ =	shalt  }
0x4c: {  	_ =	shalt  }
0x4d: {  	_ =	shalt  }
0x4e: {  	_ =	shalt  }
0x4f: {  	_ =	shalt  }
0x50: {  	_ =	shalt  }
0x51: {  	_ =	shalt  }
0x52: {  	_ =	shalt  }
0x53: {  	_ =	shalt  }
0x54: {  	_ =	shalt  }
0x55: {  	_ =	shalt  }
0x56: {  	_ =	shalt  }
0x57: {  	_ =	shalt  }
0x58: {  	_ =	shalt  }
0x59: {  	_ =	shalt  }
0x5a: {  	_ =	shalt  }
0x5b: {  	_ =	shalt  }
0x5c: {  	_ =	shalt  }
0x5d: {  	_ =	shalt  }
0x5e: {  	_ =	shalt  }
0x5f: {  	_ =	shalt  }
0x60: {  	_ =	shalt  }
0x61: {  	_ =	shalt  }
0x62: {  	_ =	shalt  }
0x63: {  	_ =	shalt  }
0x64: {  	_ =	shalt  }
0x65: {  	_ =	shalt  }
0x66: {  	_ =	shalt  }
0x67: {  	_ =	shalt  }
0x68: {  	_ =	shalt  }
0x69: {  	_ =	shalt  }
0x6a: {  	_ =	shalt  }
0x6b: {  	_ =	shalt  }
0x6c: {  	_ =	shalt  }
0x6d: {  	_ =	shalt  }
0x6e: {  	_ =	shalt  }
0x6f: {  	_ =	shalt  }
0x70: {  	_ =	shalt  }
0x71: {  	_ =	shalt  }
0x72: {  	_ =	shalt  }
0x73: {  	_ =	shalt  }
0x74: {  	_ =	shalt  }
0x75: {  	_ =	shalt  }
0x76: {  	_ =	shalt  }
0x77: {  	_ =	shalt  }
0x78: {  	_ =	shalt  }
0x79: {  	_ =	shalt  }
0x7a: {  	_ =	shalt  }
0x7b: {  	_ =	shalt  }
0x7c: {  	_ =	shalt  }
0x7d: {  	_ =	shalt  }
0x7e: {  	_ =	shalt  }
0x7f: {  	_ =	shalt  }
0x80: {  	_ =	shalt  }
0x81: {  	_ =	shalt  }
0x82: {  	_ =	shalt  }
0x83: {  	_ =	shalt  }
0x84: {  	_ =	shalt  }
0x85: {  	_ =	shalt  }
0x86: {  	_ =	shalt  }
0x87: {  	_ =	shalt  }
.Lfunc_end0:
.L_simem_size_0:
called_computation_lowered:
.L_overlay_start_0:
0x88: {  	s2 =	sld [smem:$0x3FD9]  }
0x89: {  	s3 =	sld [smem:$0x3FFE];
	_ =	sdelay $0x1  }
0x8a: {  	s1 =	srdreg.scid  }
0x8b: {  	s0 =	sand.u32 $0x1, s1  }
0x8c: {  	s17 =	sshll.u32 s0, $0xA;
	s2 =	sadd.s32 s3, s2  }
0x8d: {  	s2 =	sadd.s32 s2, s17  }
0x8e: {  	[smem:$0x3FC4] =	sst s2  }
0x8f: {  	_ = 	snop  }
0x90: {  	s2 =	sld [smem:$0x3FD0];
	(tm) =	ssettm $0x1  }
0x91: {  	s18 =	sld [smem:$0x3FFB];
	_ =	sdelay $0x3  }
0x92: {  	_ =	strace s18  }
0x93: {  	s3 =	sld [smem:$0x3FFC];
	_ =	sdelay $0x3  }
0x94: {  	_ =	strace s3  }
0x95: {  	s3 =	sld [smem:$0x3FFD];
	_ =	sdelay $0x3  }
0x96: {  	_ =	strace s3  }
0x97: {  	_ =	strace $0x8FFFFFFF  }
0x98: {  	s19 =	sld [smem:$0x3FDB];
	_ =	sdelay $0x1  }
0x99: {  	s4 =	simm.s32 $_scs_section_size  }
0x9a: {  	s5 =	simm.s32 $_size__tile_overlayer_lowered;
	s6 =	simm.s32 $_tile_overlayer_lowered  }
0x9b: {  	s22 =	simm.s32 $0x1BFF;
	s21 =	sshll.u32 s6, $0x1;
	s3 =	sadd.s32 s4, s19  }
0x9c: {  	s7 =	simm.s32 $0x0;
	s20 =	sshll.u32 s5, $0x1;
	s5 =	sadd.s32 s21, s3  }
0x9d: {  	[timem:s7], [sflag:s22] =	dma.local [hbm:s5], s20  }
0x9e: {  	_ =	swait.ge [sflag:s22], s20  }
0x9f: {  	s4 =	ssub.s32 $0x0, s20;
	[sflag:s22] =	ssyncset.done $0x0  }
0xa0: {  	[sflag:s22] =	ssyncadd.s32 s4;
	_ =	sdelay $0x1  }
0xa1: {  	s23 =	simm.s32 $0x1B8B  }
0xa2: {  	_ =	swait.ge [sflag:s23], $0x1  }
0xa3: {  	[sflag:s23] =	ssyncset.done $0x0  }
0xa4: {  	s25 =	simm.s32 $0x1B8E;
	s24 =	sld [smem:$0x3FFE];
	[sflag:s23] =	ssyncadd.s32 $0xFFFFFFFF  }
0xa5: {  	s26 =	simm.s32 $execute0_lowered;
	[smem:$0x3FD2] =	sst s25  }
0xa6: {  	s5 =	sshll.u32 s26, $0x1;
	_ =	strace $0x80000046;
	[dreg:$0x1] =	wrdreg $0xFFFFFFFF  }
0xa7: {  	s28 =	simm.s32 $_size_execute0_lowered;
	s3 =	sadd.s32 s3, s5;
	[dreg:$0x0] =	wrdreg $0x0  }
0xa8: {  	s5 =	sshll.u32 s28, $0x1;
	[dreg:$0x2] =	wrdreg s3  }
0xa9: {  	[dreg:$0x3] =	wrdreg s5  }
0xaa: {  	[dreg:$0x4] =	wrdreg $0xC0  }
0xab: {  	_ =	task [dreg:s7], $0x5FFFF  }
0xac: {  	[dreg:$0x1] =	wrdreg $0xFFFFFFFF  }
0xad: {  	[dreg:$0x0] =	wrdreg $0x60  }
0xae: {  	[dreg:$0x2] =	wrdreg s24  }
0xaf: {  	[dreg:$0x3] =	wrdreg s2  }
0xb0: {  	[dreg:$0x4] =	wrdreg $0x1C8000  }
0xb1: {  	[dreg:$0x5] =	wrdreg $0x9  }
0xb2: {  	_ =	task.clear_ibuf [dreg:s7], $0x6FFFF;
	_ =	strace $0x90000046  }
0xb3: {  	s29 =	simm.s32 $0x9;
	_ =	strace $0x80000048  }
0xb4: {  	_ =	swait.ge [sflag:s29], $0x1  }
0xb5: {  	[sflag:s29] =	ssyncadd.s32 $0xFFFFFFFF  }
0xb6: {  	_ =	strace $0x90000048  }
0xb7: {  	_ =	sfence  }
0xb8: {  	s30 =	sld [smem:$0x0];
	_ =	sdelay $0x2  }
0xb9: {  	s31 =	sshll.u32 s1, $0xD;
	s1 =	sshrl.u32 s1, $0x2  }
0xba: {  	s3 =	sand.u32 $0x4000, s31;
	s1 =	sadd.s32 s1, s30  }
0xbb: {  	s0 =	sor.u32 s3, s0;
	s1 =	sshll.u32 s1, $0x11  }
0xbc: {  	s0 =	sor.u32 s1, s0  }
0xbd: {  	s0 =	sadd.s32 $0x8F2B, s0  }
0xbe: {  	[sflag:s0] =	ssyncadd.remote.s32 $0x1  }
0xbf: {  	_ =	sfence.sel $0xFFFF  }
0xc0: {  	[dreg:$0x0] =	wrdreg $0xFFFFFFFF;
	(pc) =	sbr.abs _section_cstart, $3  }
0xc1: {  	[dreg:$0x1] =	wrdreg $0xFFFFFFFF  }
0xc2: {  	_ =	task.clear_ibuf [dreg:s7], $0x2FFFF;
	_ =	strace $0x9FFFFFFF  }
0xc3: {  	(tm) =	ssettm $0x7FFFFFFF  }
tec
execute0_lowered:
.L_overlay_start_1:
0x0: {  	(tag) =	ssettag $0x1  }
0x1: {  	s0 =	rddreg [dreg:$0x0]  }
0x2: {  	s1 =	srdreg.scid;
	s4 =	stileid.u32  }
0x3: {  	s5 =	rddreg [dreg:$0x1];
	s14 =	simm.s32 $0xD;
	s15 =	simm.s32 $0x6400  }
0x4: {  	s16 =	simm.s32 $0x80;
	s17 =	simm.s32 $0xC800;
	s18 =	simm.s32 $0x10800  }
0x5: {  	s28 =	simm.s32 $0x9;
	s29 =	simm.s32 $0x3;
	s30 =	simm.s32 $0x6  }
0x6: {  	s31 =	simm.s32 $0xA;
	s19 =	simm.s32 $0x7;
	s6 =	sand.u32 $0x1, s1  }
0x7: {  	s2 =	sshll.u32 s4, $0x1;
	s1 =	rddreg [dreg:$0x2];
	s23 =	smul.u32 $0xC8000, s4  }
0x8: {  	s7 =	sor.u32 s6, s2;
	s8 =	ssub.s32 $0x2, s6;
	s6 =	smul.u32 $0x64000, s6  }
0x9: {  	p0 =	sne.s32 s4, $0x0;
	s4 =	simm.s32 $0xC;
	s3 =	smul.u32 $0x6400, s7  }
0xa: {  	s2 =	simm.s32 $0x0;
	s13 =	sshrl.u32 @!p0 s1, $0x3;
	s11 =	smul.u32 $0x320000, s7  }
0xb: {  	[smem:$0x7FF] =	sst s2;
	s10 =	sshrl.u32 s8, $0x1;
	s7 =	smul.u32 $0x64000, s7  }
0xc: {  	_ =	strace $0x80000047;
	s20 =	ssub.s32 s8, s10;
	s3 =	sshrl.u32 s3, $0x3  }
0xd: {  	s22 =	sshrl.u32 s11, $0x3;
	s7 =	sadd.s32 s5, s7;
	s11 =	smax.u32 s20, $0x1  }
0xe: {  	s20 =	simm.s32 $0x14800;
	s9 =	sadd.s32 s3, s0;
	s3 =	sadd.s32 $0xF75000, s0  }
0xf: {  	s0 =	sadd.s32 $0xC00, s0;
	s8 =	sadd.s32 s5, s22;
	[dreg:$0x7] =	wrdreg s7  }
0x10: {  	s5 =	sadd.s32 s23, s5;
	s23 =	simm.s32 $0x18800;
	s22 =	simm.s32 $0xB  }
0x11: {  	[dreg:$0x4] =	wrdreg s0;
	s21 =	sadd.s32 $0xF43000, s9;
	s9 =	sadd.s32 $0xF5C000, s9  }
0x12: {  	s24 =	sadd.s32 $0x62800, s8;
	s25 =	sadd.s32 $0x63000, s8;
	[dreg:$0x5] =	wrdreg s21  }
0x13: {  	s10 =	sadd.s32 $0x63800, s8;
	s26 =	sadd.s32 s6, s5;
	[dreg:$0x6] =	wrdreg s9  }
0x14: {  	s0 =	simm.s32 $0x4;
	s5 =	simm.s32 $0x0;
	[dreg:$0x8] =	wrdreg s24  }
0x15: {  	[dreg:$0x9] =	wrdreg s25;
	s12 =	sadd.s32 $0x1000, s26;
	s21 =	simm.s32 $0x1  }
0x16: {  	s24 =	simm.s32 $0x2;
	s26 =	simm.s32 $0x5;
	s25 =	simm.s32 $0x8  }
.LBB2_1:
0x17: {  	s6 =	simm.s32 @!p0 $0x1C0D;
	s7 =	rddreg [dreg:$0x4]  }
0x18: {  	[spmem:s13], [sflag:s6] =	dma.local @!p0 [hbm:s7], $0x3E80  }
0x19: {  	s6 =	simm.s32 @!p0 $0xD  }
0x1a: {  	_ =	swait.ge @!p0 [sflag:s6], $0x3E80  }
0x1b: {  	[sflag:s6] =	ssyncset.done @!p0 $0x0  }
0x1c: {  	[sflag:s6] =	ssyncadd.s32 @!p0 $0xFFFFC180  }
0x1d: {  	[bflag:$0x0] =	sbarrier.arrive $0xFFFF  }
0x1e: {  	s9 =	rddreg [dreg:$0x5]  }
0x1f: {  	[tilespmem:s2], [sflag:$0xD] =	stream.linear.gather [hbm4b:s9+s2], $0x6400, $0x38;
	[tilespmem:$0x1E740] =	vst v63  }
0x20: {  	_ =	swait.ge [sflag:s14], $0x6400  }
0x21: {  	[sflag:s14] =	ssyncset.done $0x0  }
0x22: {  	s7 =	rddreg [dreg:$0x6];
	[sflag:s14] =	ssyncadd.s32 $0xFFFF9C00  }
0x23: {  	[tilespmem:s15], [sflag:$0xD] =	stream.linear.gather [hbm4b:s7+s2], $0x6400, $0x38;
	[tilespmem:$0x1E740] =	vst v63  }
0x24: {  	_ =	swait.ge [sflag:s14], $0x6400  }
0x25: {  	[sflag:s14] =	ssyncset.done $0x0  }
0x26: {  	[sflag:s14] =	ssyncadd.s32 $0xFFFF9C00  }
0x27: {  	[tilespmem:s17], [sflag:$0x1] =	stream.indirect.gather [hbm4b:s3+s16], $0x80, s2, s16, $0xb8;
	[tilespmem:$0x1E740] =	vst v63  }
0x28: {  	_ = 	snop  }
0x29: {  	[tilespmem:s18], [sflag:$0x2] =	stream.indirect.gather [hbm4b:s3+s16], $0x80, s16, s16, $0xb8;
	[tilespmem:$0x1E740] =	vst v63  }
0x2a: {  	s8 =	simm.s32 $0x100  }
0x2b: {  	[tilespmem:s20], [sflag:$0x3] =	stream.indirect.gather [hbm4b:s3+s16], $0x80, s8, s16, $0xb8;
	[tilespmem:$0x1E740] =	vst v63  }
0x2c: {  	_ =	swait.ge [sflag:s21], $0x4000  }
0x2d: {  	[sflag:s21] =	ssyncset.done $0x0  }
0x2e: {  	[sflag:s21] =	ssyncadd.s32 $0xFFFFC000  }
0x2f: {  	[tilespmem:s17], [sflag:$0x5] =	stream.indirect.gather.add.f32 [spmem:s1], $0x80, s15, s16, $0xb8;
	[tilespmem:$0x1E740] =	vst v63  }
0x30: {  	s9 =	simm.s32 $0x180  }
0x31: {  	[tilespmem:s23], [sflag:$0x4] =	stream.indirect.gather [hbm4b:s3+s16], $0x80, s9, s16, $0xb8;
	[tilespmem:$0x1E740] =	vst v63  }
0x32: {  	_ =	swait.ge [sflag:s24], $0x4000  }
0x33: {  	[sflag:s24] =	ssyncset.done $0x0  }
0x34: {  	s7 =	simm.s32 $0x6480;
	[sflag:s24] =	ssyncadd.s32 $0xFFFFC000  }
0x35: {  	[tilespmem:s18], [sflag:$0x6] =	stream.indirect.gather.add.f32 [spmem:s1], $0x80, s7, s16, $0xb8;
	[tilespmem:$0x1E740] =	vst v63  }
0x36: {  	_ =	swait.ge [sflag:s26], $0x4000  }
0x37: {  	[sflag:s26] =	ssyncset.done $0x0  }
0x38: {  	s8 =	rddreg [dreg:$0x7];
	[sflag:s26] =	ssyncadd.s32 $0xFFFFC000  }
0x39: {  	[hbm4b:s8+s2] =	stream.linear.scatter [tilespmem:s17], [sflag:$0x9], $0x4000, $0x38;
	[tilespmem:$0x1E740] =	vst v63  }
0x3a: {  	_ =	swait.ge [sflag:s28], $0x4000  }
0x3b: {  	[sflag:s28] =	ssyncset.done $0x0  }
0x3c: {  	s9 =	simm.s32 $0x200;
	[sflag:s28] =	ssyncadd.s32 $0xFFFFC000  }
0x3d: {  	[tilespmem:s17], [sflag:$0x1] =	stream.indirect.gather [hbm4b:s3+s16], $0x80, s9, s16, $0xb8;
	[tilespmem:$0x1E740] =	vst v63  }
0x3e: {  	_ =	swait.ge [sflag:s29], $0x4000  }
0x3f: {  	[sflag:s29] =	ssyncset.done $0x0  }
0x40: {  	s7 =	simm.s32 $0x6500;
	[sflag:s29] =	ssyncadd.s32 $0xFFFFC000  }
0x41: {  	[tilespmem:s20], [sflag:$0x7] =	stream.indirect.gather.add.f32 [spmem:s1], $0x80, s7, s16, $0xb8;
	[tilespmem:$0x1E740] =	vst v63  }
0x42: {  	_ =	swait.ge [sflag:s30], $0x4000  }
0x43: {  	[sflag:s30] =	ssyncset.done $0x0  }
0x44: {  	s8 =	sadd.s32 $0xFFFFF800, s12;
	[sflag:s30] =	ssyncadd.s32 $0xFFFFC000  }
0x45: {  	[hbm4b:s8+s2] =	stream.linear.scatter [tilespmem:s18], [sflag:$0xA], $0x4000, $0x38;
	[tilespmem:$0x1E740] =	vst v63  }
0x46: {  	_ =	swait.ge [sflag:s31], $0x4000  }
0x47: {  	[sflag:s31] =	ssyncset.done $0x0  }
0x48: {  	s9 =	simm.s32 $0x280;
	[sflag:s31] =	ssyncadd.s32 $0xFFFFC000  }
0x49: {  	[tilespmem:s18], [sflag:$0x2] =	stream.indirect.gather [hbm4b:s3+s16], $0x80, s9, s16, $0xb8;
	[tilespmem:$0x1E740] =	vst v63  }
0x4a: {  	_ =	swait.ge [sflag:s0], $0x4000  }
0x4b: {  	[sflag:s0] =	ssyncset.done $0x0  }
0x4c: {  	s7 =	simm.s32 $0x6580;
	[sflag:s0] =	ssyncadd.s32 $0xFFFFC000  }
0x4d: {  	[tilespmem:s23], [sflag:$0x8] =	stream.indirect.gather.add.f32 [spmem:s1], $0x80, s7, s16, $0xb8;
	[tilespmem:$0x1E740] =	vst v63  }
0x4e: {  	_ =	swait.ge [sflag:s19], $0x4000  }
0x4f: {  	[sflag:s19] =	ssyncset.done $0x0  }
0x50: {  	[sflag:s19] =	ssyncadd.s32 $0xFFFFC000  }
0x51: {  	[hbm4b:s12+s2] =	stream.linear.scatter [tilespmem:s20], [sflag:$0xB], $0x4000, $0x38;
	[tilespmem:$0x1E740] =	vst v63  }
0x52: {  	_ =	swait.ge [sflag:s22], $0x4000  }
0x53: {  	[sflag:s22] =	ssyncset.done $0x0  }
0x54: {  	s8 =	simm.s32 $0x300;
	[sflag:s22] =	ssyncadd.s32 $0xFFFFC000  }
0x55: {  	[tilespmem:s20], [sflag:$0x3] =	stream.indirect.gather [hbm4b:s3+s16], $0x80, s8, s16, $0xb8;
	[tilespmem:$0x1E740] =	vst v63  }
0x56: {  	_ =	swait.ge [sflag:s21], $0x4000  }
0x57: {  	[sflag:s21] =	ssyncset.done $0x0  }
0x58: {  	s9 =	simm.s32 $0x6600;
	[sflag:s21] =	ssyncadd.s32 $0xFFFFC000  }
0x59: {  	[tilespmem:s17], [sflag:$0x5] =	stream.indirect.gather.add.f32 [spmem:s1], $0x80, s9, s16, $0xb8;
	[tilespmem:$0x1E740] =	vst v63  }
0x5a: {  	_ =	swait.ge [sflag:s25], $0x4000  }
0x5b: {  	[sflag:s25] =	ssyncset.done $0x0  }
0x5c: {  	s7 =	sadd.s32 $0x800, s12;
	[sflag:s25] =	ssyncadd.s32 $0xFFFFC000  }
0x5d: {  	[hbm4b:s7+s2] =	stream.linear.scatter [tilespmem:s23], [sflag:$0xC], $0x4000, $0x38;
	[tilespmem:$0x1E740] =	vst v63  }
0x5e: {  	_ =	swait.ge [sflag:s4], $0x4000  }
0x5f: {  	[sflag:s4] =	ssyncset.done $0x0  }
0x60: {  	s8 =	simm.s32 $0x380;
	[sflag:s4] =	ssyncadd.s32 $0xFFFFC000  }
0x61: {  	[tilespmem:s23], [sflag:$0x4] =	stream.indirect.gather [hbm4b:s3+s16], $0x80, s8, s16, $0xb8;
	[tilespmem:$0x1E740] =	vst v63  }
0x62: {  	_ =	swait.ge [sflag:s24], $0x4000  }
0x63: {  	[sflag:s24] =	ssyncset.done $0x0  }
0x64: {  	s9 =	simm.s32 $0x6680;
	[sflag:s24] =	ssyncadd.s32 $0xFFFFC000  }
0x65: {  	[tilespmem:s18], [sflag:$0x6] =	stream.indirect.gather.add.f32 [spmem:s1], $0x80, s9, s16, $0xb8;
	[tilespmem:$0x1E740] =	vst v63  }
0x66: {  	_ =	swait.ge [sflag:s26], $0x4000  }
0x67: {  	s6 =	simm.s32 $0x800;
	[sflag:s26] =	ssyncset.done $0x0  }
0x68: {  	s7 =	sadd.s32 $0x2000, s12;
	s8 =	sadd.s32 $0x1000, s12;
	[sflag:s26] =	ssyncadd.s32 $0xFFFFC000  }
.LBB2_2:
0x69: {  	[hbm4b:s8+s2] =	stream.linear.scatter [tilespmem:s17], [sflag:$0x9], $0x4000, $0x38;
	[tilespmem:$0x1E740] =	vst v63  }
0x6a: {  	s8 =	smov.u32 s6  }
0x6b: {  	p1 =	sne.s32 s6, $0x18000;
	s6 =	sadd.s32 $0x800, s6;
	_ =	swait.ge [sflag:s28], $0x4000  }
0x6c: {  	s8 =	sshra.s32 s8, $0x2;
	[sflag:s28] =	ssyncset.done $0x0  }
0x6d: {  	s9 =	sadd.s32 $0x200, s8;
	[sflag:s28] =	ssyncadd.s32 $0xFFFFC000  }
0x6e: {  	[tilespmem:s17], [sflag:$0x1] =	stream.indirect.gather [hbm4b:s3+s16], $0x80, s9, s16, $0xb8;
	[tilespmem:$0x1E740] =	vst v63  }
0x6f: {  	_ =	swait.ge [sflag:s29], $0x4000  }
0x70: {  	[sflag:s29] =	ssyncset.done $0x0  }
0x71: {  	s9 =	sadd.s32 $0x6500, s8;
	[sflag:s29] =	ssyncadd.s32 $0xFFFFC000  }
0x72: {  	[tilespmem:s20], [sflag:$0x7] =	stream.indirect.gather.add.f32 [spmem:s1], $0x80, s9, s16, $0xb8;
	[tilespmem:$0x1E740] =	vst v63  }
0x73: {  	_ =	swait.ge [sflag:s30], $0x4000  }
0x74: {  	[sflag:s30] =	ssyncset.done $0x0  }
0x75: {  	s9 =	sadd.s32 $0xFFFFF800, s7;
	[sflag:s30] =	ssyncadd.s32 $0xFFFFC000  }
0x76: {  	[hbm4b:s9+s2] =	stream.linear.scatter [tilespmem:s18], [sflag:$0xA], $0x4000, $0x38;
	[tilespmem:$0x1E740] =	vst v63  }
0x77: {  	_ =	swait.ge [sflag:s31], $0x4000  }
0x78: {  	[sflag:s31] =	ssyncset.done $0x0  }
0x79: {  	s9 =	sadd.s32 $0x280, s8;
	[sflag:s31] =	ssyncadd.s32 $0xFFFFC000  }
0x7a: {  	[tilespmem:s18], [sflag:$0x2] =	stream.indirect.gather [hbm4b:s3+s16], $0x80, s9, s16, $0xb8;
	[tilespmem:$0x1E740] =	vst v63  }
0x7b: {  	_ =	swait.ge [sflag:s0], $0x4000  }
0x7c: {  	[sflag:s0] =	ssyncset.done $0x0  }
0x7d: {  	s9 =	sadd.s32 $0x6580, s8;
	[sflag:s0] =	ssyncadd.s32 $0xFFFFC000  }
0x7e: {  	[tilespmem:s23], [sflag:$0x8] =	stream.indirect.gather.add.f32 [spmem:s1], $0x80, s9, s16, $0xb8;
	[tilespmem:$0x1E740] =	vst v63  }
0x7f: {  	_ =	swait.ge [sflag:s19], $0x4000  }
0x80: {  	[sflag:s19] =	ssyncset.done $0x0  }
0x81: {  	[sflag:s19] =	ssyncadd.s32 $0xFFFFC000  }
0x82: {  	[hbm4b:s7+s2] =	stream.linear.scatter [tilespmem:s20], [sflag:$0xB], $0x4000, $0x38;
	[tilespmem:$0x1E740] =	vst v63  }
0x83: {  	_ =	swait.ge [sflag:s22], $0x4000  }
0x84: {  	[sflag:s22] =	ssyncset.done $0x0  }
0x85: {  	s9 =	sadd.s32 $0x300, s8;
	[sflag:s22] =	ssyncadd.s32 $0xFFFFC000  }
0x86: {  	[tilespmem:s20], [sflag:$0x3] =	stream.indirect.gather [hbm4b:s3+s16], $0x80, s9, s16, $0xb8;
	[tilespmem:$0x1E740] =	vst v63  }
0x87: {  	_ =	swait.ge [sflag:s21], $0x4000  }
0x88: {  	[sflag:s21] =	ssyncset.done $0x0  }
0x89: {  	s9 =	sadd.s32 $0x6600, s8;
	[sflag:s21] =	ssyncadd.s32 $0xFFFFC000  }
0x8a: {  	[tilespmem:s17], [sflag:$0x5] =	stream.indirect.gather.add.f32 [spmem:s1], $0x80, s9, s16, $0xb8;
	[tilespmem:$0x1E740] =	vst v63  }
0x8b: {  	_ =	swait.ge [sflag:s25], $0x4000  }
0x8c: {  	[sflag:s25] =	ssyncset.done $0x0  }
0x8d: {  	s9 =	sadd.s32 $0x800, s7;
	[sflag:s25] =	ssyncadd.s32 $0xFFFFC000  }
0x8e: {  	[hbm4b:s9+s2] =	stream.linear.scatter [tilespmem:s23], [sflag:$0xC], $0x4000, $0x38;
	[tilespmem:$0x1E740] =	vst v63  }
0x8f: {  	_ =	swait.ge [sflag:s4], $0x4000  }
0x90: {  	[sflag:s4] =	ssyncset.done $0x0  }
0x91: {  	s9 =	sadd.s32 $0x380, s8;
	[sflag:s4] =	ssyncadd.s32 $0xFFFFC000  }
0x92: {  	[tilespmem:s23], [sflag:$0x4] =	stream.indirect.gather [hbm4b:s3+s16], $0x80, s9, s16, $0xb8;
	[tilespmem:$0x1E740] =	vst v63  }
0x93: {  	_ =	swait.ge [sflag:s24], $0x4000  }
0x94: {  	[sflag:s24] =	ssyncset.done $0x0  }
.Ltmp0:
0x95: {  	s8 =	sadd.s32 $0x6680, s8;
	[sflag:s24] =	ssyncadd.s32 $0xFFFFC000;
	(pc) =	sbr.rel @p1 .LBB2_2-.Ltmp0, $4  }
0x96: {  	[tilespmem:s18], [sflag:$0x6] =	stream.indirect.gather.add.f32 [spmem:s1], $0x80, s8, s16, $0xb8;
	[tilespmem:$0x1E740] =	vst v63  }
0x97: {  	_ =	swait.ge [sflag:s26], $0x4000  }
0x98: {  	[sflag:s26] =	ssyncset.done $0x0  }
0x99: {  	s8 =	sadd.s32 $0x1000, s7;
	s7 =	sadd.s32 $0x2000, s7;
	[sflag:s26] =	ssyncadd.s32 $0xFFFFC000  }
0x9a: {  	[hbm4b:s8+s2] =	stream.linear.scatter [tilespmem:s17], [sflag:$0x9], $0x4000, $0x38;
	[tilespmem:$0x1E740] =	vst v63  }
0x9b: {  	_ =	swait.ge [sflag:s29], $0x4000  }
0x9c: {  	[sflag:s29] =	ssyncset.done $0x0  }
0x9d: {  	s6 =	simm.s32 $0xC700;
	[sflag:s29] =	ssyncadd.s32 $0xFFFFC000  }
0x9e: {  	[tilespmem:s20], [sflag:$0x7] =	stream.indirect.gather.add.f32 [spmem:s1], $0x80, s6, s16, $0xb8;
	[tilespmem:$0x1E740] =	vst v63  }
0x9f: {  	_ =	swait.ge [sflag:s30], $0x4000  }
0xa0: {  	[sflag:s30] =	ssyncset.done $0x0  }
0xa1: {  	s7 =	rddreg [dreg:$0x8];
	[sflag:s30] =	ssyncadd.s32 $0xFFFFC000  }
0xa2: {  	[hbm4b:s7+s2] =	stream.linear.scatter [tilespmem:s18], [sflag:$0xA], $0x4000, $0x38;
	[tilespmem:$0x1E740] =	vst v63  }
0xa3: {  	_ =	swait.ge [sflag:s0], $0x4000  }
0xa4: {  	[sflag:s0] =	ssyncset.done $0x0  }
0xa5: {  	s8 =	simm.s32 $0xC780;
	[sflag:s0] =	ssyncadd.s32 $0xFFFFC000  }
0xa6: {  	[tilespmem:s23], [sflag:$0x8] =	stream.indirect.gather.add.f32 [spmem:s1], $0x80, s8, s16, $0xb8;
	[tilespmem:$0x1E740] =	vst v63  }
0xa7: {  	_ =	swait.ge [sflag:s19], $0x4000  }
0xa8: {  	[sflag:s19] =	ssyncset.done $0x0  }
0xa9: {  	s9 =	rddreg [dreg:$0x9];
	[sflag:s19] =	ssyncadd.s32 $0xFFFFC000  }
0xaa: {  	[hbm4b:s9+s2] =	stream.linear.scatter [tilespmem:s20], [sflag:$0xB], $0x4000, $0x38;
	[tilespmem:$0x1E740] =	vst v63  }
0xab: {  	_ =	swait.ge [sflag:s25], $0x4000  }
0xac: {  	[sflag:s25] =	ssyncset.done $0x0  }
0xad: {  	[sflag:s25] =	ssyncadd.s32 $0xFFFFC000  }
0xae: {  	[hbm4b:s10+s2] =	stream.linear.scatter [tilespmem:s23], [sflag:$0xC], $0x4000, $0x38;
	[tilespmem:$0x1E740] =	vst v63  }
0xaf: {  	_ =	swait.ge [sflag:s28], $0x4000  }
0xb0: {  	[sflag:s28] =	ssyncset.done $0x0  }
0xb1: {  	[sflag:s28] =	ssyncadd.s32 $0xFFFFC000  }
0xb2: {  	_ =	swait.ge [sflag:s31], $0x4000  }
0xb3: {  	[sflag:s31] =	ssyncset.done $0x0  }
0xb4: {  	s5 =	sadd.s32 $0x1, s5;
	[sflag:s31] =	ssyncadd.s32 $0xFFFFC000  }
0xb5: {  	p1 =	sne.s32 s5, s11;
	_ =	swait.ge [sflag:s22], $0x4000  }
.Ltmp1:
0xb6: {  	[sflag:s22] =	ssyncset.done $0x0;
	(pc) =	sbr.rel @p1 .LBB2_1-.Ltmp1, $4  }
0xb7: {  	[sflag:s22] =	ssyncadd.s32 $0xFFFFC000  }
0xb8: {  	_ =	swait.ge [sflag:s4], $0x4000  }
0xb9: {  	[sflag:s4] =	ssyncset.done $0x0  }
0xba: {  	[sflag:s4] =	ssyncadd.s32 $0xFFFFC000  }
0xbb: {  	_ =	sfence.sel $0x180000  }
0xbc: {  	[bflag:$0x0] =	sbarrier.arrive $0xFFFF  }
0xbd: {  	_ =	strace $0x90000047  }
0xbe: {  	[bflag:$0x2] =	sbarrier.arrive $0xFFFF  }
0xbf: {  	s0 =	rddreg [dreg:$0x3]  }
0xc0: {  	s0 =	sadd.s32 @!p0 $0x100000, s0  }
0xc1: {  	[sflag:s0] =	ssyncadd.tile.s32 @!p0 $0x1;
	_ =	shalt  }
.Lfunc_end2:
_tile_overlayer_lowered:
.L_overlay_start_2:
0xc2: {  	(tag) =	ssettag $0x2  }
0xc3: {  	s0 =	rddreg [dreg:$0x0];
	s2 =	stileid.u32  }
0xc4: {  	s1 =	rddreg [dreg:$0x1];
	p0 =	sne.s32 s2, $0x0  }
0xc5: {  	s3 =	rddreg [dreg:$0x2];
	[bflag:$0x3] =	sbarrier.arrive $0xFFFF;
	s2 =	simm.s32 @!p0 $0x1C0D  }
0xc6: {  	[timem:s3], [sflag:s2] =	dma.local @!p0 [hbm:s0], s1  }
0xc7: {  	s0 =	simm.s32 @!p0 $0xD  }
0xc8: {  	_ =	swait.ge @!p0 [sflag:s0], s1  }
0xc9: {  	s1 =	ssub.s32 @!p0 $0x0, s1;
	[sflag:s0] =	ssyncset.done @!p0 $0x0  }
0xca: {  	[sflag:s0] =	ssyncadd.s32 @!p0 s1  }
0xcb: {  	[bflag:$0x3] =	sbarrier.arrive $0xFFFF  }
0xcc: {  	_ =	shalt  }

</sc_bundles>
